<compile_context>
chip_gen: v7x
topology: tpu7x:2x2x1
jax: 0.10.2.dev20260603
libtpu: 0.0.44.dev20260713+nightly
codegen_flags: <defaults>
</compile_context>

<pallas_src>
import functools

import jax
import jax.numpy as jnp
from jax import lax
from jax.experimental import pallas as pl
from jax.experimental.pallas import tpu as pltpu
from jax.experimental.pallas import tpu_sc as plsc

NUM_NODES = 50000
NUM_EDGES = 1600000
BATCH = 32

NC = 2
NS = 16
L = 16

N_QUARTERS = 4
N_GROUPS = 8
EDGE_Q = NUM_EDGES // N_QUARTERS
CHUNK = 3200
N_CHUNKS = EDGE_Q // CHUNK

_ILV = plsc.PackFormat.INTERLEAVED


def _sc_body(xp_hbm, j_hbm, ep_hbm, out_hbm,
             xpa, xpb, epc, jc, accv, sem0, sem1):
    cid = lax.axis_index("c")
    sid = lax.axis_index("s")
    wid = sid * NC + cid
    g = lax.rem(wid, N_GROUPS)
    q = wid // N_GROUPS
    edge_base = q * EDGE_Q

    pltpu.sync_copy(xp_hbm.at[2 * g], xpa)
    pltpu.sync_copy(xp_hbm.at[2 * g + 1], xpb)

    sems = (sem0, sem1)

    def issue(ci, slot):
        base = edge_base + ci * CHUNK
        pltpu.async_copy(ep_hbm.at[pl.ds(base, CHUNK)], epc.at[slot], sems[slot])
        pltpu.async_copy(j_hbm.at[pl.ds(base, CHUNK)], jc.at[slot], sems[slot])

    def drain(slot):
        pltpu.make_async_copy(ep_hbm.at[pl.ds(0, CHUNK)], epc.at[slot], sems[slot]).wait()
        pltpu.make_async_copy(j_hbm.at[pl.ds(0, CHUNK)], jc.at[slot], sems[slot]).wait()

    def group(slot, off, acc):
        a0, a1, a2, a3 = acc
        w = epc[slot, pl.ds(off, L)]
        jv = jc[slot, pl.ds(off, L)]
        ii = w & 0xFFFF
        jj = lax.shift_right_logical(w, 16)
        wia = plsc.load_gather(xpa, [ii])
        wja = plsc.load_gather(xpa, [jj])
        wib = plsc.load_gather(xpb, [ii])
        wjb = plsc.load_gather(xpb, [jj])
        jvp = plsc.pack(jv, jv, format=_ILV)
        pa = plsc.bitcast(wia, jnp.bfloat16) * plsc.bitcast(wja, jnp.bfloat16)
        pb = plsc.bitcast(wib, jnp.bfloat16) * plsc.bitcast(wjb, jnp.bfloat16)
        p0, p1 = plsc.unpack(pa * jvp, format=_ILV)
        p2, p3 = plsc.unpack(pb * jvp, format=_ILV)
        return (a0 + p0, a1 + p1, a2 + p2, a3 + p3)

    def compute(slot, acc):
        @plsc.parallel_loop(0, CHUNK, L, unroll=8, carry=acc)
        def loop(off, acc):
            return group(slot, off, acc)

        return loop

    zero = jnp.zeros((L,), jnp.float32)
    acc = (zero, zero, zero, zero)

    issue(0, 0)

    def pair_body(p, acc):
        ci = 2 * p
        issue(ci + 1, 1)
        drain(0)
        acc = compute(0, acc)
        issue(ci + 2, 0)
        drain(1)
        acc = compute(1, acc)
        return acc

    acc = lax.fori_loop(0, (N_CHUNKS - 1) // 2, pair_body, acc)
    drain(0)
    acc = compute(0, acc)

    for k in range(4):
        accv[k, :] = acc[k]
    for k in range(4):
        pltpu.sync_copy(accv.at[k], out_hbm.at[g, k, q])


@jax.jit
def _sc_energy(xp, j, ep):
    mesh = plsc.VectorSubcoreMesh(core_axis_name="c", subcore_axis_name="s",
                                  num_cores=NC, num_subcores=NS)
    run = pl.kernel(
        _sc_body,
        out_type=jax.ShapeDtypeStruct((N_GROUPS, 4, N_QUARTERS, L),
                                      jnp.float32),
        mesh=mesh,
        compiler_params=pltpu.CompilerParams(needs_layout_passes=False),
        scratch_types=[
            pltpu.VMEM((NUM_NODES,), jnp.float32),
            pltpu.VMEM((NUM_NODES,), jnp.float32),
            pltpu.VMEM((2, CHUNK), jnp.int32),
            pltpu.VMEM((2, CHUNK), jnp.float32),
            pltpu.VMEM((4, L), jnp.float32),
            pltpu.SemaphoreType.DMA,
            pltpu.SemaphoreType.DMA,
        ],
    )
    return run(xp, j, ep)


def _xh_body(x_ref, h_ref, out_ref):
    out_ref[...] = jnp.sum(x_ref[...] * h_ref[...], axis=1, keepdims=True)


@jax.jit
def _xh_matvec(x, h):
    return pl.pallas_call(
        _xh_body,
        out_shape=jax.ShapeDtypeStruct((BATCH, 1), jnp.float32),
    )(x, h.reshape(1, NUM_NODES))


def kernel(x, h, J, edge_idx_i, edge_idx_j):
    xr = x.astype(jnp.bfloat16).reshape(BATCH // 2, 2, NUM_NODES)
    xr = jnp.swapaxes(xr, 1, 2)
    xp = lax.bitcast_convert_type(xr, jnp.float32)

    ei = edge_idx_i.astype(jnp.int32)
    ej = edge_idx_j.astype(jnp.int32)
    ep = ei | (ej << 16)

    partials = _sc_energy(xp, J, ep)
    xh = _xh_matvec(x, h)
    return partials.reshape(BATCH, N_QUARTERS * L).sum(axis=-1) + xh[:, 0]

# --- scband reference (transcript-rebuilt; emitter-appended) ---
"""Pipeline reference for scband-graph-restricted-boltzmann-machine-2654289789161 (READ-ONLY COPY).

The authoritative reference and input builder live on the scoring server;
editing this copy changes nothing except your own understanding.
"""

import jax, jax.numpy as jnp
import numpy as np

NUM_NODES = 50000
NUM_EDGES = 1600000
BATCH = 32


def setup_inputs(seed: int = 0) -> dict:
    key = jax.random.key(seed)
    k_x, k_ei, k_ej, k_h, k_J = jax.random.split(key, 5)
    x = jax.random.normal(k_x, (BATCH, NUM_NODES), dtype=jnp.float32)
    edge_idx_i = jax.random.randint(k_ei, (NUM_EDGES,), 0, NUM_NODES, dtype=jnp.int64 if jax.config.jax_enable_x64 else jnp.int32)
    edge_idx_j = jax.random.randint(k_ej, (NUM_EDGES,), 0, NUM_NODES, dtype=jnp.int64 if jax.config.jax_enable_x64 else jnp.int32)
    # parameters as in the torch module __init__
    h = 0.01 * (2.0 * jax.random.randint(k_h, (NUM_NODES,), 0, 2).astype(jnp.float32) - 1.0)
    J = 1.0 * (2.0 * jax.random.randint(k_J, (NUM_EDGES,), 0, 2).astype(jnp.float32) - 1.0)
    return {"x": x, "h": h, "J": J, "edge_idx_i": edge_idx_i, "edge_idx_j": edge_idx_j}


def reference(x, h, J, edge_idx_i, edge_idx_j):
    # clip_parameters with default h_range/j_range = (-inf, inf) is a no-op
    # interactions: gather endpoint spins per edge and multiply
    xi = jnp.take(x, edge_idx_i, axis=-1)  # (B, E)
    xj = jnp.take(x, edge_idx_j, axis=-1)  # (B, E)
    interactions = xi * xj                  # (B, E)
    # Hamiltonian: x @ h + interactions @ J -> (B,)
    return x @ h + interactions @ J

if __name__ == "__main__":
    import jax
    _d = setup_inputs()
    print(jax.jit(kernel)(*tuple(_d.values())))

</pallas_src>

<mosaic_0001>
#map = affine_map<(d0, d1) -> (0, 0)>
#map1 = affine_map<(d0, d1) -> (0)>
#map2 = affine_map<(d0, d1) -> (0, 0, 0, 0)>
module attributes {stable_mosaic.version = 14 : i64} {
  func.func @_sc_body(%arg0: i32, %arg1: i32, %arg2: memref<16x50000xf32, #tpu.memory_space<hbm>>, %arg3: memref<1600000xf32, #tpu.memory_space<hbm>>, %arg4: memref<1600000xi32, #tpu.memory_space<hbm>>, %arg5: memref<8x4x4x16xf32, #tpu.memory_space<hbm>>, %arg6: memref<50000xf32, #tpu.memory_space<vmem>>, %arg7: memref<50000xf32, #tpu.memory_space<vmem>>, %arg8: memref<2x3200xi32, #tpu.memory_space<vmem>>, %arg9: memref<2x3200xf32, #tpu.memory_space<vmem>>, %arg10: memref<4x16xf32, #tpu.memory_space<vmem>>, %arg11: memref<!tpu.dma_semaphore, #tpu.memory_space<semaphore_mem>>, %arg12: memref<!tpu.dma_semaphore, #tpu.memory_space<semaphore_mem>>) attributes {dimension_semantics = [#tpu.dimension_semantics<core_parallel>, #tpu.dimension_semantics<subcore_parallel>], iteration_bounds = array<i64: 2, 16>, scalar_prefetch = 0 : i64, scratch_operands = 7 : i64, tpu.core_type = #tpu.core_type<sc_vector_subcore>, window_params = [{transform_indices = #map}, {transform_indices = #map1}, {transform_indices = #map1}, {transform_indices = #map2}]} {
    %mul3A = arith.constant 2 : i32
    %mul3A_0 = arith.muli %arg1, %mul3A : i32
    %add3A = arith.addi %mul3A_0, %arg0 : i32
    %rem3A = arith.constant 8 : i32
    %rem3A_1 = arith.remsi %add3A, %rem3A : i32
    %jit3A = arith.constant 8 : i32
    %div3A = arith.divsi %add3A, %jit3A : i32
    %sign3A = arith.constant 0 : i32
    %sign3A_2 = arith.cmpi sgt, %add3A, %sign3A : i32
    %sign3A_3 = arith.extui %sign3A_2 : i1 to i32
    %sign3A_4 = arith.constant 0 : i32
    %sign3A_5 = arith.cmpi slt, %add3A, %sign3A_4 : i32
    %sign3A_6 = arith.extui %sign3A_5 : i1 to i32
    %sign3A_7 = arith.subi %sign3A_3, %sign3A_6 : i32
    %sign3A_8 = arith.constant 0 : i32
    %sign3A_9 = arith.cmpi sgt, %jit3A, %sign3A_8 : i32
    %sign3A_10 = arith.extui %sign3A_9 : i1 to i32
    %sign3A_11 = arith.constant 0 : i32
    %sign3A_12 = arith.cmpi slt, %jit3A, %sign3A_11 : i32
    %sign3A_13 = arith.extui %sign3A_12 : i1 to i32
    %sign3A_14 = arith.subi %sign3A_10, %sign3A_13 : i32
    %ne3A = arith.cmpi ne, %sign3A_7, %sign3A_14 : i32
    %rem3A_15 = arith.remsi %add3A, %jit3A : i32
    %ne3A_16 = arith.constant 0 : i32
    %ne3A_17 = arith.cmpi ne, %rem3A_15, %ne3A_16 : i32
    %and3A = arith.andi %ne3A, %ne3A_17 : i1
    %sub3A = arith.constant 1 : i32
    %sub3A_18 = arith.subi %div3A, %sub3A : i32
    %select_n3A = arith.select %and3A, %sub3A_18, %div3A : i32
    %mul3A_19 = arith.constant 400000 : i32
    %mul3A_20 = arith.muli %select_n3A, %mul3A_19 : i32
    %mul3A_21 = arith.constant 2 : i32
    %mul3A_22 = arith.muli %mul3A_21, %rem3A_1 : i32
    "tpu.region"() ({
      %run_scoped3A_98 = tpu.sem_alloc : memref<!tpu.dma_semaphore, #tpu.memory_space<semaphore_mem>>
      %dma_start3A_99 = arith.constant 0 : i32
      %dma_start3A_100 = tpu.memref_slice %arg2[%mul3A_22, %dma_start3A_99] : memref<16x50000xf32, #tpu.memory_space<hbm>> -> memref<1x50000xf32, #tpu.memory_space<hbm>>
      %dma_start3A_101 = tpu.memref_squeeze %dma_start3A_100 : memref<1x50000xf32, #tpu.memory_space<hbm>> -> memref<50000xf32, #tpu.memory_space<hbm>>
      %dma_start3A_102 = arith.constant 0 : i32
      %dma_start3A_103 = tpu.memref_slice %arg2[%mul3A_22, %dma_start3A_102] : memref<16x50000xf32, #tpu.memory_space<hbm>> -> memref<1x50000xf32, #tpu.memory_space<hbm>>
      %dma_start3A_104 = tpu.memref_squeeze %dma_start3A_103 : memref<1x50000xf32, #tpu.memory_space<hbm>> -> memref<50000xf32, #tpu.memory_space<hbm>>
      tpu.enqueue_dma source(%dma_start3A_104 : memref<50000xf32, #tpu.memory_space<hbm>>) target(%arg6 : memref<50000xf32, #tpu.memory_space<vmem>>) target_semaphore(%run_scoped3A_98 : memref<!tpu.dma_semaphore, #tpu.memory_space<semaphore_mem>>)
      %dma_wait3A_105 = arith.constant 0 : i32
      %dma_wait3A_106 = tpu.memref_slice %arg2[%mul3A_22, %dma_wait3A_105] : memref<16x50000xf32, #tpu.memory_space<hbm>> -> memref<1x50000xf32, #tpu.memory_space<hbm>>
      %dma_wait3A_107 = tpu.memref_squeeze %dma_wait3A_106 : memref<1x50000xf32, #tpu.memory_space<hbm>> -> memref<50000xf32, #tpu.memory_space<hbm>>
      %dma_wait3A_108 = arith.constant 0 : i32
      %dma_wait3A_109 = tpu.memref_slice %arg2[%mul3A_22, %dma_wait3A_108] : memref<16x50000xf32, #tpu.memory_space<hbm>> -> memref<1x50000xf32, #tpu.memory_space<hbm>>
      %dma_wait3A_110 = tpu.memref_squeeze %dma_wait3A_109 : memref<1x50000xf32, #tpu.memory_space<hbm>> -> memref<50000xf32, #tpu.memory_space<hbm>>
      tpu.wait_dma2 semaphore(%run_scoped3A_98 : memref<!tpu.dma_semaphore, #tpu.memory_space<semaphore_mem>>) src(%dma_wait3A_110 : memref<50000xf32, #tpu.memory_space<hbm>>) dst(%arg6 : memref<50000xf32, #tpu.memory_space<vmem>>)
      tpu.yield
    }) : () -> ()
    %mul3A_23 = arith.constant 2 : i32
    %mul3A_24 = arith.muli %mul3A_23, %rem3A_1 : i32
    %add3A_25 = arith.constant 1 : i32
    %add3A_26 = arith.addi %mul3A_24, %add3A_25 : i32
    "tpu.region"() ({
      %run_scoped3A_98 = tpu.sem_alloc : memref<!tpu.dma_semaphore, #tpu.memory_space<semaphore_mem>>
      %dma_start3A_99 = arith.constant 0 : i32
      %dma_start3A_100 = tpu.memref_slice %arg2[%add3A_26, %dma_start3A_99] : memref<16x50000xf32, #tpu.memory_space<hbm>> -> memref<1x50000xf32, #tpu.memory_space<hbm>>
      %dma_start3A_101 = tpu.memref_squeeze %dma_start3A_100 : memref<1x50000xf32, #tpu.memory_space<hbm>> -> memref<50000xf32, #tpu.memory_space<hbm>>
      %dma_start3A_102 = arith.constant 0 : i32
      %dma_start3A_103 = tpu.memref_slice %arg2[%add3A_26, %dma_start3A_102] : memref<16x50000xf32, #tpu.memory_space<hbm>> -> memref<1x50000xf32, #tpu.memory_space<hbm>>
      %dma_start3A_104 = tpu.memref_squeeze %dma_start3A_103 : memref<1x50000xf32, #tpu.memory_space<hbm>> -> memref<50000xf32, #tpu.memory_space<hbm>>
      tpu.enqueue_dma source(%dma_start3A_104 : memref<50000xf32, #tpu.memory_space<hbm>>) target(%arg7 : memref<50000xf32, #tpu.memory_space<vmem>>) target_semaphore(%run_scoped3A_98 : memref<!tpu.dma_semaphore, #tpu.memory_space<semaphore_mem>>)
      %dma_wait3A_105 = arith.constant 0 : i32
      %dma_wait3A_106 = tpu.memref_slice %arg2[%add3A_26, %dma_wait3A_105] : memref<16x50000xf32, #tpu.memory_space<hbm>> -> memref<1x50000xf32, #tpu.memory_space<hbm>>
      %dma_wait3A_107 = tpu.memref_squeeze %dma_wait3A_106 : memref<1x50000xf32, #tpu.memory_space<hbm>> -> memref<50000xf32, #tpu.memory_space<hbm>>
      %dma_wait3A_108 = arith.constant 0 : i32
      %dma_wait3A_109 = tpu.memref_slice %arg2[%add3A_26, %dma_wait3A_108] : memref<16x50000xf32, #tpu.memory_space<hbm>> -> memref<1x50000xf32, #tpu.memory_space<hbm>>
      %dma_wait3A_110 = tpu.memref_squeeze %dma_wait3A_109 : memref<1x50000xf32, #tpu.memory_space<hbm>> -> memref<50000xf32, #tpu.memory_space<hbm>>
      tpu.wait_dma2 semaphore(%run_scoped3A_98 : memref<!tpu.dma_semaphore, #tpu.memory_space<semaphore_mem>>) src(%dma_wait3A_110 : memref<50000xf32, #tpu.memory_space<hbm>>) dst(%arg7 : memref<50000xf32, #tpu.memory_space<vmem>>)
      tpu.yield
    }) : () -> ()
    %broadcast_in_dim3A = arith.constant 0.000000e+00 : f32
    %broadcast_in_dim3A_27 = vector.broadcast %broadcast_in_dim3A : f32 to vector<16xf32>
    %add3A_28 = arith.constant 0 : i32
    %add3A_29 = arith.addi %mul3A_20, %add3A_28 : i32
    %dma_start3A = arith.constant 0 : i32
    %dma_start3A_30 = arith.constant 0 : i32
    %dma_start3A_31 = tpu.memref_slice %arg8[%dma_start3A, %dma_start3A_30] : memref<2x3200xi32, #tpu.memory_space<vmem>> -> memref<1x3200xi32, #tpu.memory_space<vmem>>
    %dma_start3A_32 = tpu.memref_squeeze %dma_start3A_31 : memref<1x3200xi32, #tpu.memory_space<vmem>> -> memref<3200xi32, #tpu.memory_space<vmem>>
    %dma_start3A_33 = tpu.memref_slice %arg4[%add3A_29] : memref<1600000xi32, #tpu.memory_space<hbm>> -> memref<3200xi32, #tpu.memory_space<hbm>>
    %dma_start3A_34 = arith.constant 0 : i32
    %dma_start3A_35 = tpu.memref_slice %arg8[%dma_start3A, %dma_start3A_34] : memref<2x3200xi32, #tpu.memory_space<vmem>> -> memref<1x3200xi32, #tpu.memory_space<vmem>>
    %dma_start3A_36 = tpu.memref_squeeze %dma_start3A_35 : memref<1x3200xi32, #tpu.memory_space<vmem>> -> memref<3200xi32, #tpu.memory_space<vmem>>
    %dma_start3A_37 = tpu.memref_slice %arg4[%add3A_29] : memref<1600000xi32, #tpu.memory_space<hbm>> -> memref<3200xi32, #tpu.memory_space<hbm>>
    tpu.enqueue_dma source(%dma_start3A_37 : memref<3200xi32, #tpu.memory_space<hbm>>) target(%dma_start3A_36 : memref<3200xi32, #tpu.memory_space<vmem>>) target_semaphore(%arg11 : memref<!tpu.dma_semaphore, #tpu.memory_space<semaphore_mem>>)
    %dma_start3A_38 = arith.constant 0 : i32
    %dma_start3A_39 = arith.constant 0 : i32
    %dma_start3A_40 = tpu.memref_slice %arg9[%dma_start3A_38, %dma_start3A_39] : memref<2x3200xf32, #tpu.memory_space<vmem>> -> memref<1x3200xf32, #tpu.memory_space<vmem>>
    %dma_start3A_41 = tpu.memref_squeeze %dma_start3A_40 : memref<1x3200xf32, #tpu.memory_space<vmem>> -> memref<3200xf32, #tpu.memory_space<vmem>>
    %dma_start3A_42 = tpu.memref_slice %arg3[%add3A_29] : memref<1600000xf32, #tpu.memory_space<hbm>> -> memref<3200xf32, #tpu.memory_space<hbm>>
    %dma_start3A_43 = arith.constant 0 : i32
    %dma_start3A_44 = tpu.memref_slice %arg9[%dma_start3A_38, %dma_start3A_43] : memref<2x3200xf32, #tpu.memory_space<vmem>> -> memref<1x3200xf32, #tpu.memory_space<vmem>>
    %dma_start3A_45 = tpu.memref_squeeze %dma_start3A_44 : memref<1x3200xf32, #tpu.memory_space<vmem>> -> memref<3200xf32, #tpu.memory_space<vmem>>
    %dma_start3A_46 = tpu.memref_slice %arg3[%add3A_29] : memref<1600000xf32, #tpu.memory_space<hbm>> -> memref<3200xf32, #tpu.memory_space<hbm>>
    tpu.enqueue_dma source(%dma_start3A_46 : memref<3200xf32, #tpu.memory_space<hbm>>) target(%dma_start3A_45 : memref<3200xf32, #tpu.memory_space<vmem>>) target_semaphore(%arg11 : memref<!tpu.dma_semaphore, #tpu.memory_space<semaphore_mem>>)
    %scan3A = arith.constant 0 : i32
    %scan3A_47 = arith.constant 62 : i32
    %scan3A_48 = arith.addi %scan3A, %scan3A_47 : i32
    %scan3A_49 = arith.constant 1 : i32
    %scan3A_50:4 = scf.for %scan3A_98 = %scan3A to %scan3A_48 step %scan3A_49 iter_args(%scan3A_99 = %broadcast_in_dim3A_27, %scan3A_100 = %broadcast_in_dim3A_27, %scan3A_101 = %broadcast_in_dim3A_27, %scan3A_102 = %broadcast_in_dim3A_27) -> (vector<16xf32>, vector<16xf32>, vector<16xf32>, vector<16xf32>)  : i32 {
      %mul3A_103 = arith.constant 2 : i32
      %mul3A_104 = arith.muli %mul3A_103, %scan3A_98 : i32
      %add3A_105 = arith.constant 1 : i32
      %add3A_106 = arith.addi %mul3A_104, %add3A_105 : i32
      %mul3A_107 = arith.constant 3200 : i32
      %mul3A_108 = arith.muli %add3A_106, %mul3A_107 : i32
      %add3A_109 = arith.addi %mul3A_20, %mul3A_108 : i32
      %dma_start3A_110 = arith.constant 1 : i32
      %dma_start3A_111 = arith.constant 0 : i32
      %dma_start3A_112 = tpu.memref_slice %arg8[%dma_start3A_110, %dma_start3A_111] : memref<2x3200xi32, #tpu.memory_space<vmem>> -> memref<1x3200xi32, #tpu.memory_space<vmem>>
      %dma_start3A_113 = tpu.memref_squeeze %dma_start3A_112 : memref<1x3200xi32, #tpu.memory_space<vmem>> -> memref<3200xi32, #tpu.memory_space<vmem>>
      %dma_start3A_114 = tpu.memref_slice %arg4[%add3A_109] : memref<1600000xi32, #tpu.memory_space<hbm>> -> memref<3200xi32, #tpu.memory_space<hbm>>
      %dma_start3A_115 = arith.constant 0 : i32
      %dma_start3A_116 = tpu.memref_slice %arg8[%dma_start3A_110, %dma_start3A_115] : memref<2x3200xi32, #tpu.memory_space<vmem>> -> memref<1x3200xi32, #tpu.memory_space<vmem>>
      %dma_start3A_117 = tpu.memref_squeeze %dma_start3A_116 : memref<1x3200xi32, #tpu.memory_space<vmem>> -> memref<3200xi32, #tpu.memory_space<vmem>>
      %dma_start3A_118 = tpu.memref_slice %arg4[%add3A_109] : memref<1600000xi32, #tpu.memory_space<hbm>> -> memref<3200xi32, #tpu.memory_space<hbm>>
      tpu.enqueue_dma source(%dma_start3A_118 : memref<3200xi32, #tpu.memory_space<hbm>>) target(%dma_start3A_117 : memref<3200xi32, #tpu.memory_space<vmem>>) target_semaphore(%arg12 : memref<!tpu.dma_semaphore, #tpu.memory_space<semaphore_mem>>)
      %dma_start3A_119 = arith.constant 1 : i32
      %dma_start3A_120 = arith.constant 0 : i32
      %dma_start3A_121 = tpu.memref_slice %arg9[%dma_start3A_119, %dma_start3A_120] : memref<2x3200xf32, #tpu.memory_space<vmem>> -> memref<1x3200xf32, #tpu.memory_space<vmem>>
      %dma_start3A_122 = tpu.memref_squeeze %dma_start3A_121 : memref<1x3200xf32, #tpu.memory_space<vmem>> -> memref<3200xf32, #tpu.memory_space<vmem>>
      %dma_start3A_123 = tpu.memref_slice %arg3[%add3A_109] : memref<1600000xf32, #tpu.memory_space<hbm>> -> memref<3200xf32, #tpu.memory_space<hbm>>
      %dma_start3A_124 = arith.constant 0 : i32
      %dma_start3A_125 = tpu.memref_slice %arg9[%dma_start3A_119, %dma_start3A_124] : memref<2x3200xf32, #tpu.memory_space<vmem>> -> memref<1x3200xf32, #tpu.memory_space<vmem>>
      %dma_start3A_126 = tpu.memref_squeeze %dma_start3A_125 : memref<1x3200xf32, #tpu.memory_space<vmem>> -> memref<3200xf32, #tpu.memory_space<vmem>>
      %dma_start3A_127 = tpu.memref_slice %arg3[%add3A_109] : memref<1600000xf32, #tpu.memory_space<hbm>> -> memref<3200xf32, #tpu.memory_space<hbm>>
      tpu.enqueue_dma source(%dma_start3A_127 : memref<3200xf32, #tpu.memory_space<hbm>>) target(%dma_start3A_126 : memref<3200xf32, #tpu.memory_space<vmem>>) target_semaphore(%arg12 : memref<!tpu.dma_semaphore, #tpu.memory_space<semaphore_mem>>)
      %dma_wait3A_128 = arith.constant 0 : i32
      %dma_wait3A_129 = arith.constant 0 : i32
      %dma_wait3A_130 = tpu.memref_slice %arg8[%dma_wait3A_128, %dma_wait3A_129] : memref<2x3200xi32, #tpu.memory_space<vmem>> -> memref<1x3200xi32, #tpu.memory_space<vmem>>
      %dma_wait3A_131 = tpu.memref_squeeze %dma_wait3A_130 : memref<1x3200xi32, #tpu.memory_space<vmem>> -> memref<3200xi32, #tpu.memory_space<vmem>>
      %dma_wait3A_132 = arith.constant 0 : i32
      %dma_wait3A_133 = tpu.memref_slice %arg4[%dma_wait3A_132] : memref<1600000xi32, #tpu.memory_space<hbm>> -> memref<3200xi32, #tpu.memory_space<hbm>>
      %dma_wait3A_134 = arith.constant 0 : i32
      %dma_wait3A_135 = tpu.memref_slice %arg8[%dma_wait3A_128, %dma_wait3A_134] : memref<2x3200xi32, #tpu.memory_space<vmem>> -> memref<1x3200xi32, #tpu.memory_space<vmem>>
      %dma_wait3A_136 = tpu.memref_squeeze %dma_wait3A_135 : memref<1x3200xi32, #tpu.memory_space<vmem>> -> memref<3200xi32, #tpu.memory_space<vmem>>
      %dma_wait3A_137 = arith.constant 0 : i32
      %dma_wait3A_138 = tpu.memref_slice %arg4[%dma_wait3A_137] : memref<1600000xi32, #tpu.memory_space<hbm>> -> memref<3200xi32, #tpu.memory_space<hbm>>
      tpu.wait_dma2 semaphore(%arg11 : memref<!tpu.dma_semaphore, #tpu.memory_space<semaphore_mem>>) src(%dma_wait3A_138 : memref<3200xi32, #tpu.memory_space<hbm>>) dst(%dma_wait3A_136 : memref<3200xi32, #tpu.memory_space<vmem>>)
      %dma_wait3A_139 = arith.constant 0 : i32
      %dma_wait3A_140 = arith.constant 0 : i32
      %dma_wait3A_141 = tpu.memref_slice %arg9[%dma_wait3A_139, %dma_wait3A_140] : memref<2x3200xf32, #tpu.memory_space<vmem>> -> memref<1x3200xf32, #tpu.memory_space<vmem>>
      %dma_wait3A_142 = tpu.memref_squeeze %dma_wait3A_141 : memref<1x3200xf32, #tpu.memory_space<vmem>> -> memref<3200xf32, #tpu.memory_space<vmem>>
      %dma_wait3A_143 = arith.constant 0 : i32
      %dma_wait3A_144 = tpu.memref_slice %arg3[%dma_wait3A_143] : memref<1600000xf32, #tpu.memory_space<hbm>> -> memref<3200xf32, #tpu.memory_space<hbm>>
      %dma_wait3A_145 = arith.constant 0 : i32
      %dma_wait3A_146 = tpu.memref_slice %arg9[%dma_wait3A_139, %dma_wait3A_145] : memref<2x3200xf32, #tpu.memory_space<vmem>> -> memref<1x3200xf32, #tpu.memory_space<vmem>>
      %dma_wait3A_147 = tpu.memref_squeeze %dma_wait3A_146 : memref<1x3200xf32, #tpu.memory_space<vmem>> -> memref<3200xf32, #tpu.memory_space<vmem>>
      %dma_wait3A_148 = arith.constant 0 : i32
      %dma_wait3A_149 = tpu.memref_slice %arg3[%dma_wait3A_148] : memref<1600000xf32, #tpu.memory_space<hbm>> -> memref<3200xf32, #tpu.memory_space<hbm>>
      tpu.wait_dma2 semaphore(%arg11 : memref<!tpu.dma_semaphore, #tpu.memory_space<semaphore_mem>>) src(%dma_wait3A_149 : memref<3200xf32, #tpu.memory_space<hbm>>) dst(%dma_wait3A_147 : memref<3200xf32, #tpu.memory_space<vmem>>)
      %parallel_loop3A_150 = arith.constant 0 : i32
      %parallel_loop3A_151 = arith.constant 3200 : i32
      %parallel_loop3A_152 = arith.constant 16 : i32
      %parallel_loop3A_153:4 = scf.for %parallel_loop3A_203 = %parallel_loop3A_150 to %parallel_loop3A_151 step %parallel_loop3A_152 iter_args(%parallel_loop3A_204 = %scan3A_99, %parallel_loop3A_205 = %scan3A_100, %parallel_loop3A_206 = %scan3A_101, %parallel_loop3A_207 = %scan3A_102) -> (vector<16xf32>, vector<16xf32>, vector<16xf32>, vector<16xf32>)  : i32 {
        %parallel_loop3A_208 = arith.constant 0 : i32
        %parallel_loop3A_209 = arith.index_cast %parallel_loop3A_208 : i32 to index
        %parallel_loop3A_210 = arith.index_cast %parallel_loop3A_203 : i32 to index
        %parallel_loop3A_211 = tpu.vector_load %arg8[%parallel_loop3A_209, %parallel_loop3A_210] {strides = array<i32>} : memref<2x3200xi32, #tpu.memory_space<vmem>>, vector<16xi32>,
        %parallel_loop3A_212 = arith.constant 0 : i32
        %parallel_loop3A_213 = arith.index_cast %parallel_loop3A_212 : i32 to index
        %parallel_loop3A_214 = arith.index_cast %parallel_loop3A_203 : i32 to index
        %parallel_loop3A_215 = tpu.vector_load %arg9[%parallel_loop3A_213, %parallel_loop3A_214] {strides = array<i32>} : memref<2x3200xf32, #tpu.memory_space<vmem>>, vector<16xf32>,
        %parallel_loop3A_216 = arith.constant 65535 : i32
        %parallel_loop3A_217 = vector.broadcast %parallel_loop3A_216 : i32 to vector<16xi32>
        %parallel_loop3A_218 = arith.andi %parallel_loop3A_211, %parallel_loop3A_217 : vector<16xi32>
        %parallel_loop3A_219 = arith.constant 16 : i32
        %parallel_loop3A_220 = vector.broadcast %parallel_loop3A_219 : i32 to vector<16xi32>
        %parallel_loop3A_221 = arith.shrui %parallel_loop3A_211, %parallel_loop3A_220 : vector<16xi32>
        %parallel_loop3A_222 = tpu.vector_load_idx %arg6[%parallel_loop3A_218] : memref<50000xf32, #tpu.memory_space<vmem>>[vector<16xi32>], vector<16xf32>,
        %parallel_loop3A_223 = tpu.vector_load_idx %arg6[%parallel_loop3A_221] : memref<50000xf32, #tpu.memory_space<vmem>>[vector<16xi32>], vector<16xf32>,
        %parallel_loop3A_224 = tpu.vector_load_idx %arg7[%parallel_loop3A_218] : memref<50000xf32, #tpu.memory_space<vmem>>[vector<16xi32>], vector<16xf32>,
        %parallel_loop3A_225 = tpu.vector_load_idx %arg7[%parallel_loop3A_221] : memref<50000xf32, #tpu.memory_space<vmem>>[vector<16xi32>], vector<16xf32>,
        %parallel_loop3A_226 = tpu.pack_subelements %parallel_loop3A_215, %parallel_loop3A_215 {pack_format = #tpu.pack_format<interleaved>, positions = array<i32: 0, 1>} : vector<16xf32>, vector<16xf32> -> vector<32xbf16>
        %parallel_loop3A_227 = vector.bitcast %parallel_loop3A_222 : vector<16xf32> to vector<32xbf16>
        %parallel_loop3A_228 = vector.bitcast %parallel_loop3A_223 : vector<16xf32> to vector<32xbf16>
        %parallel_loop3A_229 = arith.mulf %parallel_loop3A_227, %parallel_loop3A_228 : vector<32xbf16>
        %parallel_loop3A_230 = vector.bitcast %parallel_loop3A_224 : vector<16xf32> to vector<32xbf16>
        %parallel_loop3A_231 = vector.bitcast %parallel_loop3A_225 : vector<16xf32> to vector<32xbf16>
        %parallel_loop3A_232 = arith.mulf %parallel_loop3A_230, %parallel_loop3A_231 : vector<32xbf16>
        %parallel_loop3A_233 = arith.mulf %parallel_loop3A_229, %parallel_loop3A_226 : vector<32xbf16>
        %parallel_loop3A_234 = tpu.unpack_subelements %parallel_loop3A_233, 0 {pack_format = #tpu.pack_format<interleaved>} : vector<32xbf16> -> vector<16xf32>
        %parallel_loop3A_235 = tpu.unpack_subelements %parallel_loop3A_233, 1 {pack_format = #tpu.pack_format<interleaved>} : vector<32xbf16> -> vector<16xf32>
        %parallel_loop3A_236 = arith.mulf %parallel_loop3A_232, %parallel_loop3A_226 : vector<32xbf16>
        %parallel_loop3A_237 = tpu.unpack_subelements %parallel_loop3A_236, 0 {pack_format = #tpu.pack_format<interleaved>} : vector<32xbf16> -> vector<16xf32>
        %parallel_loop3A_238 = tpu.unpack_subelements %parallel_loop3A_236, 1 {pack_format = #tpu.pack_format<interleaved>} : vector<32xbf16> -> vector<16xf32>
        %parallel_loop3A_239 = arith.addf %parallel_loop3A_204, %parallel_loop3A_234 : vector<16xf32>
        %parallel_loop3A_240 = arith.addf %parallel_loop3A_205, %parallel_loop3A_235 : vector<16xf32>
        %parallel_loop3A_241 = arith.addf %parallel_loop3A_206, %parallel_loop3A_237 : vector<16xf32>
        %parallel_loop3A_242 = arith.addf %parallel_loop3A_207, %parallel_loop3A_238 : vector<16xf32>
        scf.yield %parallel_loop3A_239, %parallel_loop3A_240, %parallel_loop3A_241, %parallel_loop3A_242 : vector<16xf32>, vector<16xf32>, vector<16xf32>, vector<16xf32>
      } {sc.loop_unroll_factor = 8 : i64, sc.parallel_access}
      %add3A_154 = arith.constant 2 : i32
      %add3A_155 = arith.addi %mul3A_104, %add3A_154 : i32
      %mul3A_156 = arith.constant 3200 : i32
      %mul3A_157 = arith.muli %add3A_155, %mul3A_156 : i32
      %add3A_158 = arith.addi %mul3A_20, %mul3A_157 : i32
      %dma_start3A_159 = arith.constant 0 : i32
      %dma_start3A_160 = arith.constant 0 : i32
      %dma_start3A_161 = tpu.memref_slice %arg8[%dma_start3A_159, %dma_start3A_160] : memref<2x3200xi32, #tpu.memory_space<vmem>> -> memref<1x3200xi32, #tpu.memory_space<vmem>>
      %dma_start3A_162 = tpu.memref_squeeze %dma_start3A_161 : memref<1x3200xi32, #tpu.memory_space<vmem>> -> memref<3200xi32, #tpu.memory_space<vmem>>
      %dma_start3A_163 = tpu.memref_slice %arg4[%add3A_158] : memref<1600000xi32, #tpu.memory_space<hbm>> -> memref<3200xi32, #tpu.memory_space<hbm>>
      %dma_start3A_164 = arith.constant 0 : i32
      %dma_start3A_165 = tpu.memref_slice %arg8[%dma_start3A_159, %dma_start3A_164] : memref<2x3200xi32, #tpu.memory_space<vmem>> -> memref<1x3200xi32, #tpu.memory_space<vmem>>
      %dma_start3A_166 = tpu.memref_squeeze %dma_start3A_165 : memref<1x3200xi32, #tpu.memory_space<vmem>> -> memref<3200xi32, #tpu.memory_space<vmem>>
      %dma_start3A_167 = tpu.memref_slice %arg4[%add3A_158] : memref<1600000xi32, #tpu.memory_space<hbm>> -> memref<3200xi32, #tpu.memory_space<hbm>>
      tpu.enqueue_dma source(%dma_start3A_167 : memref<3200xi32, #tpu.memory_space<hbm>>) target(%dma_start3A_166 : memref<3200xi32, #tpu.memory_space<vmem>>) target_semaphore(%arg11 : memref<!tpu.dma_semaphore, #tpu.memory_space<semaphore_mem>>)
      %dma_start3A_168 = arith.constant 0 : i32
      %dma_start3A_169 = arith.constant 0 : i32
      %dma_start3A_170 = tpu.memref_slice %arg9[%dma_start3A_168, %dma_start3A_169] : memref<2x3200xf32, #tpu.memory_space<vmem>> -> memref<1x3200xf32, #tpu.memory_space<vmem>>
      %dma_start3A_171 = tpu.memref_squeeze %dma_start3A_170 : memref<1x3200xf32, #tpu.memory_space<vmem>> -> memref<3200xf32, #tpu.memory_space<vmem>>
      %dma_start3A_172 = tpu.memref_slice %arg3[%add3A_158] : memref<1600000xf32, #tpu.memory_space<hbm>> -> memref<3200xf32, #tpu.memory_space<hbm>>
      %dma_start3A_173 = arith.constant 0 : i32
      %dma_start3A_174 = tpu.memref_slice %arg9[%dma_start3A_168, %dma_start3A_173] : memref<2x3200xf32, #tpu.memory_space<vmem>> -> memref<1x3200xf32, #tpu.memory_space<vmem>>
      %dma_start3A_175 = tpu.memref_squeeze %dma_start3A_174 : memref<1x3200xf32, #tpu.memory_space<vmem>> -> memref<3200xf32, #tpu.memory_space<vmem>>
      %dma_start3A_176 = tpu.memref_slice %arg3[%add3A_158] : memref<1600000xf32, #tpu.memory_space<hbm>> -> memref<3200xf32, #tpu.memory_space<hbm>>
      tpu.enqueue_dma source(%dma_start3A_176 : memref<3200xf32, #tpu.memory_space<hbm>>) target(%dma_start3A_175 : memref<3200xf32, #tpu.memory_space<vmem>>) target_semaphore(%arg11 : memref<!tpu.dma_semaphore, #tpu.memory_space<semaphore_mem>>)
      %dma_wait3A_177 = arith.constant 1 : i32
      %dma_wait3A_178 = arith.constant 0 : i32
      %dma_wait3A_179 = tpu.memref_slice %arg8[%dma_wait3A_177, %dma_wait3A_178] : memref<2x3200xi32, #tpu.memory_space<vmem>> -> memref<1x3200xi32, #tpu.memory_space<vmem>>
      %dma_wait3A_180 = tpu.memref_squeeze %dma_wait3A_179 : memref<1x3200xi32, #tpu.memory_space<vmem>> -> memref<3200xi32, #tpu.memory_space<vmem>>
      %dma_wait3A_181 = arith.constant 0 : i32
      %dma_wait3A_182 = tpu.memref_slice %arg4[%dma_wait3A_181] : memref<1600000xi32, #tpu.memory_space<hbm>> -> memref<3200xi32, #tpu.memory_space<hbm>>
      %dma_wait3A_183 = arith.constant 0 : i32
      %dma_wait3A_184 = tpu.memref_slice %arg8[%dma_wait3A_177, %dma_wait3A_183] : memref<2x3200xi32, #tpu.memory_space<vmem>> -> memref<1x3200xi32, #tpu.memory_space<vmem>>
      %dma_wait3A_185 = tpu.memref_squeeze %dma_wait3A_184 : memref<1x3200xi32, #tpu.memory_space<vmem>> -> memref<3200xi32, #tpu.memory_space<vmem>>
      %dma_wait3A_186 = arith.constant 0 : i32
      %dma_wait3A_187 = tpu.memref_slice %arg4[%dma_wait3A_186] : memref<1600000xi32, #tpu.memory_space<hbm>> -> memref<3200xi32, #tpu.memory_space<hbm>>
      tpu.wait_dma2 semaphore(%arg12 : memref<!tpu.dma_semaphore, #tpu.memory_space<semaphore_mem>>) src(%dma_wait3A_187 : memref<3200xi32, #tpu.memory_space<hbm>>) dst(%dma_wait3A_185 : memref<3200xi32, #tpu.memory_space<vmem>>)
      %dma_wait3A_188 = arith.constant 1 : i32
      %dma_wait3A_189 = arith.constant 0 : i32
      %dma_wait3A_190 = tpu.memref_slice %arg9[%dma_wait3A_188, %dma_wait3A_189] : memref<2x3200xf32, #tpu.memory_space<vmem>> -> memref<1x3200xf32, #tpu.memory_space<vmem>>
      %dma_wait3A_191 = tpu.memref_squeeze %dma_wait3A_190 : memref<1x3200xf32, #tpu.memory_space<vmem>> -> memref<3200xf32, #tpu.memory_space<vmem>>
      %dma_wait3A_192 = arith.constant 0 : i32
      %dma_wait3A_193 = tpu.memref_slice %arg3[%dma_wait3A_192] : memref<1600000xf32, #tpu.memory_space<hbm>> -> memref<3200xf32, #tpu.memory_space<hbm>>
      %dma_wait3A_194 = arith.constant 0 : i32
      %dma_wait3A_195 = tpu.memref_slice %arg9[%dma_wait3A_188, %dma_wait3A_194] : memref<2x3200xf32, #tpu.memory_space<vmem>> -> memref<1x3200xf32, #tpu.memory_space<vmem>>
      %dma_wait3A_196 = tpu.memref_squeeze %dma_wait3A_195 : memref<1x3200xf32, #tpu.memory_space<vmem>> -> memref<3200xf32, #tpu.memory_space<vmem>>
      %dma_wait3A_197 = arith.constant 0 : i32
      %dma_wait3A_198 = tpu.memref_slice %arg3[%dma_wait3A_197] : memref<1600000xf32, #tpu.memory_space<hbm>> -> memref<3200xf32, #tpu.memory_space<hbm>>
      tpu.wait_dma2 semaphore(%arg12 : memref<!tpu.dma_semaphore, #tpu.memory_space<semaphore_mem>>) src(%dma_wait3A_198 : memref<3200xf32, #tpu.memory_space<hbm>>) dst(%dma_wait3A_196 : memref<3200xf32, #tpu.memory_space<vmem>>)
      %parallel_loop3A_199 = arith.constant 0 : i32
      %parallel_loop3A_200 = arith.constant 3200 : i32
      %parallel_loop3A_201 = arith.constant 16 : i32
      %parallel_loop3A_202:4 = scf.for %parallel_loop3A_203 = %parallel_loop3A_199 to %parallel_loop3A_200 step %parallel_loop3A_201 iter_args(%parallel_loop3A_204 = %parallel_loop3A_153#0, %parallel_loop3A_205 = %parallel_loop3A_153#1, %parallel_loop3A_206 = %parallel_loop3A_153#2, %parallel_loop3A_207 = %parallel_loop3A_153#3) -> (vector<16xf32>, vector<16xf32>, vector<16xf32>, vector<16xf32>)  : i32 {
        %parallel_loop3A_208 = arith.constant 1 : i32
        %parallel_loop3A_209 = arith.index_cast %parallel_loop3A_208 : i32 to index
        %parallel_loop3A_210 = arith.index_cast %parallel_loop3A_203 : i32 to index
        %parallel_loop3A_211 = tpu.vector_load %arg8[%parallel_loop3A_209, %parallel_loop3A_210] {strides = array<i32>} : memref<2x3200xi32, #tpu.memory_space<vmem>>, vector<16xi32>,
        %parallel_loop3A_212 = arith.constant 1 : i32
        %parallel_loop3A_213 = arith.index_cast %parallel_loop3A_212 : i32 to index
        %parallel_loop3A_214 = arith.index_cast %parallel_loop3A_203 : i32 to index
        %parallel_loop3A_215 = tpu.vector_load %arg9[%parallel_loop3A_213, %parallel_loop3A_214] {strides = array<i32>} : memref<2x3200xf32, #tpu.memory_space<vmem>>, vector<16xf32>,
        %parallel_loop3A_216 = arith.constant 65535 : i32
        %parallel_loop3A_217 = vector.broadcast %parallel_loop3A_216 : i32 to vector<16xi32>
        %parallel_loop3A_218 = arith.andi %parallel_loop3A_211, %parallel_loop3A_217 : vector<16xi32>
        %parallel_loop3A_219 = arith.constant 16 : i32
        %parallel_loop3A_220 = vector.broadcast %parallel_loop3A_219 : i32 to vector<16xi32>
        %parallel_loop3A_221 = arith.shrui %parallel_loop3A_211, %parallel_loop3A_220 : vector<16xi32>
        %parallel_loop3A_222 = tpu.vector_load_idx %arg6[%parallel_loop3A_218] : memref<50000xf32, #tpu.memory_space<vmem>>[vector<16xi32>], vector<16xf32>,
        %parallel_loop3A_223 = tpu.vector_load_idx %arg6[%parallel_loop3A_221] : memref<50000xf32, #tpu.memory_space<vmem>>[vector<16xi32>], vector<16xf32>,
        %parallel_loop3A_224 = tpu.vector_load_idx %arg7[%parallel_loop3A_218] : memref<50000xf32, #tpu.memory_space<vmem>>[vector<16xi32>], vector<16xf32>,
        %parallel_loop3A_225 = tpu.vector_load_idx %arg7[%parallel_loop3A_221] : memref<50000xf32, #tpu.memory_space<vmem>>[vector<16xi32>], vector<16xf32>,
        %parallel_loop3A_226 = tpu.pack_subelements %parallel_loop3A_215, %parallel_loop3A_215 {pack_format = #tpu.pack_format<interleaved>, positions = array<i32: 0, 1>} : vector<16xf32>, vector<16xf32> -> vector<32xbf16>
        %parallel_loop3A_227 = vector.bitcast %parallel_loop3A_222 : vector<16xf32> to vector<32xbf16>
        %parallel_loop3A_228 = vector.bitcast %parallel_loop3A_223 : vector<16xf32> to vector<32xbf16>
        %parallel_loop3A_229 = arith.mulf %parallel_loop3A_227, %parallel_loop3A_228 : vector<32xbf16>
        %parallel_loop3A_230 = vector.bitcast %parallel_loop3A_224 : vector<16xf32> to vector<32xbf16>
        %parallel_loop3A_231 = vector.bitcast %parallel_loop3A_225 : vector<16xf32> to vector<32xbf16>
        %parallel_loop3A_232 = arith.mulf %parallel_loop3A_230, %parallel_loop3A_231 : vector<32xbf16>
        %parallel_loop3A_233 = arith.mulf %parallel_loop3A_229, %parallel_loop3A_226 : vector<32xbf16>
        %parallel_loop3A_234 = tpu.unpack_subelements %parallel_loop3A_233, 0 {pack_format = #tpu.pack_format<interleaved>} : vector<32xbf16> -> vector<16xf32>
        %parallel_loop3A_235 = tpu.unpack_subelements %parallel_loop3A_233, 1 {pack_format = #tpu.pack_format<interleaved>} : vector<32xbf16> -> vector<16xf32>
        %parallel_loop3A_236 = arith.mulf %parallel_loop3A_232, %parallel_loop3A_226 : vector<32xbf16>
        %parallel_loop3A_237 = tpu.unpack_subelements %parallel_loop3A_236, 0 {pack_format = #tpu.pack_format<interleaved>} : vector<32xbf16> -> vector<16xf32>
        %parallel_loop3A_238 = tpu.unpack_subelements %parallel_loop3A_236, 1 {pack_format = #tpu.pack_format<interleaved>} : vector<32xbf16> -> vector<16xf32>
        %parallel_loop3A_239 = arith.addf %parallel_loop3A_204, %parallel_loop3A_234 : vector<16xf32>
        %parallel_loop3A_240 = arith.addf %parallel_loop3A_205, %parallel_loop3A_235 : vector<16xf32>
        %parallel_loop3A_241 = arith.addf %parallel_loop3A_206, %parallel_loop3A_237 : vector<16xf32>
        %parallel_loop3A_242 = arith.addf %parallel_loop3A_207, %parallel_loop3A_238 : vector<16xf32>
        scf.yield %parallel_loop3A_239, %parallel_loop3A_240, %parallel_loop3A_241, %parallel_loop3A_242 : vector<16xf32>, vector<16xf32>, vector<16xf32>, vector<16xf32>
      } {sc.loop_unroll_factor = 8 : i64, sc.parallel_access}
      scf.yield %parallel_loop3A_202#0, %parallel_loop3A_202#1, %parallel_loop3A_202#2, %parallel_loop3A_202#3 : vector<16xf32>, vector<16xf32>, vector<16xf32>, vector<16xf32>
    }
    %scan3A_51 = arith.constant 62 : i32
    %dma_wait3A = arith.constant 0 : i32
    %dma_wait3A_52 = arith.constant 0 : i32
    %dma_wait3A_53 = tpu.memref_slice %arg8[%dma_wait3A, %dma_wait3A_52] : memref<2x3200xi32, #tpu.memory_space<vmem>> -> memref<1x3200xi32, #tpu.memory_space<vmem>>
    %dma_wait3A_54 = tpu.memref_squeeze %dma_wait3A_53 : memref<1x3200xi32, #tpu.memory_space<vmem>> -> memref<3200xi32, #tpu.memory_space<vmem>>
    %dma_wait3A_55 = arith.constant 0 : i32
    %dma_wait3A_56 = tpu.memref_slice %arg4[%dma_wait3A_55] : memref<1600000xi32, #tpu.memory_space<hbm>> -> memref<3200xi32, #tpu.memory_space<hbm>>
    %dma_wait3A_57 = arith.constant 0 : i32
    %dma_wait3A_58 = tpu.memref_slice %arg8[%dma_wait3A, %dma_wait3A_57] : memref<2x3200xi32, #tpu.memory_space<vmem>> -> memref<1x3200xi32, #tpu.memory_space<vmem>>
    %dma_wait3A_59 = tpu.memref_squeeze %dma_wait3A_58 : memref<1x3200xi32, #tpu.memory_space<vmem>> -> memref<3200xi32, #tpu.memory_space<vmem>>
    %dma_wait3A_60 = arith.constant 0 : i32
    %dma_wait3A_61 = tpu.memref_slice %arg4[%dma_wait3A_60] : memref<1600000xi32, #tpu.memory_space<hbm>> -> memref<3200xi32, #tpu.memory_space<hbm>>
    tpu.wait_dma2 semaphore(%arg11 : memref<!tpu.dma_semaphore, #tpu.memory_space<semaphore_mem>>) src(%dma_wait3A_61 : memref<3200xi32, #tpu.memory_space<hbm>>) dst(%dma_wait3A_59 : memref<3200xi32, #tpu.memory_space<vmem>>)
    %dma_wait3A_62 = arith.constant 0 : i32
    %dma_wait3A_63 = arith.constant 0 : i32
    %dma_wait3A_64 = tpu.memref_slice %arg9[%dma_wait3A_62, %dma_wait3A_63] : memref<2x3200xf32, #tpu.memory_space<vmem>> -> memref<1x3200xf32, #tpu.memory_space<vmem>>
    %dma_wait3A_65 = tpu.memref_squeeze %dma_wait3A_64 : memref<1x3200xf32, #tpu.memory_space<vmem>> -> memref<3200xf32, #tpu.memory_space<vmem>>
    %dma_wait3A_66 = arith.constant 0 : i32
    %dma_wait3A_67 = tpu.memref_slice %arg3[%dma_wait3A_66] : memref<1600000xf32, #tpu.memory_space<hbm>> -> memref<3200xf32, #tpu.memory_space<hbm>>
    %dma_wait3A_68 = arith.constant 0 : i32
    %dma_wait3A_69 = tpu.memref_slice %arg9[%dma_wait3A_62, %dma_wait3A_68] : memref<2x3200xf32, #tpu.memory_space<vmem>> -> memref<1x3200xf32, #tpu.memory_space<vmem>>
    %dma_wait3A_70 = tpu.memref_squeeze %dma_wait3A_69 : memref<1x3200xf32, #tpu.memory_space<vmem>> -> memref<3200xf32, #tpu.memory_space<vmem>>
    %dma_wait3A_71 = arith.constant 0 : i32
    %dma_wait3A_72 = tpu.memref_slice %arg3[%dma_wait3A_71] : memref<1600000xf32, #tpu.memory_space<hbm>> -> memref<3200xf32, #tpu.memory_space<hbm>>
    tpu.wait_dma2 semaphore(%arg11 : memref<!tpu.dma_semaphore, #tpu.memory_space<semaphore_mem>>) src(%dma_wait3A_72 : memref<3200xf32, #tpu.memory_space<hbm>>) dst(%dma_wait3A_70 : memref<3200xf32, #tpu.memory_space<vmem>>)
    %parallel_loop3A = arith.constant 0 : i32
    %parallel_loop3A_73 = arith.constant 3200 : i32
    %parallel_loop3A_74 = arith.constant 16 : i32
    %parallel_loop3A_75:4 = scf.for %parallel_loop3A_98 = %parallel_loop3A to %parallel_loop3A_73 step %parallel_loop3A_74 iter_args(%parallel_loop3A_99 = %scan3A_50#0, %parallel_loop3A_100 = %scan3A_50#1, %parallel_loop3A_101 = %scan3A_50#2, %parallel_loop3A_102 = %scan3A_50#3) -> (vector<16xf32>, vector<16xf32>, vector<16xf32>, vector<16xf32>)  : i32 {
      %parallel_loop3A_103 = arith.constant 0 : i32
      %parallel_loop3A_104 = arith.index_cast %parallel_loop3A_103 : i32 to index
      %parallel_loop3A_105 = arith.index_cast %parallel_loop3A_98 : i32 to index
      %parallel_loop3A_106 = tpu.vector_load %arg8[%parallel_loop3A_104, %parallel_loop3A_105] {strides = array<i32>} : memref<2x3200xi32, #tpu.memory_space<vmem>>, vector<16xi32>,
      %parallel_loop3A_107 = arith.constant 0 : i32
      %parallel_loop3A_108 = arith.index_cast %parallel_loop3A_107 : i32 to index
      %parallel_loop3A_109 = arith.index_cast %parallel_loop3A_98 : i32 to index
      %parallel_loop3A_110 = tpu.vector_load %arg9[%parallel_loop3A_108, %parallel_loop3A_109] {strides = array<i32>} : memref<2x3200xf32, #tpu.memory_space<vmem>>, vector<16xf32>,
      %parallel_loop3A_111 = arith.constant 65535 : i32
      %parallel_loop3A_112 = vector.broadcast %parallel_loop3A_111 : i32 to vector<16xi32>
      %parallel_loop3A_113 = arith.andi %parallel_loop3A_106, %parallel_loop3A_112 : vector<16xi32>
      %parallel_loop3A_114 = arith.constant 16 : i32
      %parallel_loop3A_115 = vector.broadcast %parallel_loop3A_114 : i32 to vector<16xi32>
      %parallel_loop3A_116 = arith.shrui %parallel_loop3A_106, %parallel_loop3A_115 : vector<16xi32>
      %parallel_loop3A_117 = tpu.vector_load_idx %arg6[%parallel_loop3A_113] : memref<50000xf32, #tpu.memory_space<vmem>>[vector<16xi32>], vector<16xf32>,
      %parallel_loop3A_118 = tpu.vector_load_idx %arg6[%parallel_loop3A_116] : memref<50000xf32, #tpu.memory_space<vmem>>[vector<16xi32>], vector<16xf32>,
      %parallel_loop3A_119 = tpu.vector_load_idx %arg7[%parallel_loop3A_113] : memref<50000xf32, #tpu.memory_space<vmem>>[vector<16xi32>], vector<16xf32>,
      %parallel_loop3A_120 = tpu.vector_load_idx %arg7[%parallel_loop3A_116] : memref<50000xf32, #tpu.memory_space<vmem>>[vector<16xi32>], vector<16xf32>,
      %parallel_loop3A_121 = tpu.pack_subelements %parallel_loop3A_110, %parallel_loop3A_110 {pack_format = #tpu.pack_format<interleaved>, positions = array<i32: 0, 1>} : vector<16xf32>, vector<16xf32> -> vector<32xbf16>
      %parallel_loop3A_122 = vector.bitcast %parallel_loop3A_117 : vector<16xf32> to vector<32xbf16>
      %parallel_loop3A_123 = vector.bitcast %parallel_loop3A_118 : vector<16xf32> to vector<32xbf16>
      %parallel_loop3A_124 = arith.mulf %parallel_loop3A_122, %parallel_loop3A_123 : vector<32xbf16>
      %parallel_loop3A_125 = vector.bitcast %parallel_loop3A_119 : vector<16xf32> to vector<32xbf16>
      %parallel_loop3A_126 = vector.bitcast %parallel_loop3A_120 : vector<16xf32> to vector<32xbf16>
      %parallel_loop3A_127 = arith.mulf %parallel_loop3A_125, %parallel_loop3A_126 : vector<32xbf16>
      %parallel_loop3A_128 = arith.mulf %parallel_loop3A_124, %parallel_loop3A_121 : vector<32xbf16>
      %parallel_loop3A_129 = tpu.unpack_subelements %parallel_loop3A_128, 0 {pack_format = #tpu.pack_format<interleaved>} : vector<32xbf16> -> vector<16xf32>
      %parallel_loop3A_130 = tpu.unpack_subelements %parallel_loop3A_128, 1 {pack_format = #tpu.pack_format<interleaved>} : vector<32xbf16> -> vector<16xf32>
      %parallel_loop3A_131 = arith.mulf %parallel_loop3A_127, %parallel_loop3A_121 : vector<32xbf16>
      %parallel_loop3A_132 = tpu.unpack_subelements %parallel_loop3A_131, 0 {pack_format = #tpu.pack_format<interleaved>} : vector<32xbf16> -> vector<16xf32>
      %parallel_loop3A_133 = tpu.unpack_subelements %parallel_loop3A_131, 1 {pack_format = #tpu.pack_format<interleaved>} : vector<32xbf16> -> vector<16xf32>
      %parallel_loop3A_134 = arith.addf %parallel_loop3A_99, %parallel_loop3A_129 : vector<16xf32>
      %parallel_loop3A_135 = arith.addf %parallel_loop3A_100, %parallel_loop3A_130 : vector<16xf32>
      %parallel_loop3A_136 = arith.addf %parallel_loop3A_101, %parallel_loop3A_132 : vector<16xf32>
      %parallel_loop3A_137 = arith.addf %parallel_loop3A_102, %parallel_loop3A_133 : vector<16xf32>
      scf.yield %parallel_loop3A_134, %parallel_loop3A_135, %parallel_loop3A_136, %parallel_loop3A_137 : vector<16xf32>, vector<16xf32>, vector<16xf32>, vector<16xf32>
    } {sc.loop_unroll_factor = 8 : i64, sc.parallel_access}
    %swap3A = arith.constant 0 : i32
    %swap3A_76 = arith.index_cast %swap3A : i32 to index
    %swap3A_77 = arith.constant 0 : index
    %swap3A_78 = tpu.vector_load %arg10[%swap3A_76, %swap3A_77] {strides = array<i32>} : memref<4x16xf32, #tpu.memory_space<vmem>>, vector<16xf32>,
    tpu.vector_store %arg10[%swap3A_76, %swap3A_77], %parallel_loop3A_75#0 {strides = array<i32>} : memref<4x16xf32, #tpu.memory_space<vmem>>, vector<16xf32>,
    %swap3A_79 = arith.constant 1 : i32
    %swap3A_80 = arith.index_cast %swap3A_79 : i32 to index
    %swap3A_81 = arith.constant 0 : index
    %swap3A_82 = tpu.vector_load %arg10[%swap3A_80, %swap3A_81] {strides = array<i32>} : memref<4x16xf32, #tpu.memory_space<vmem>>, vector<16xf32>,
    tpu.vector_store %arg10[%swap3A_80, %swap3A_81], %parallel_loop3A_75#1 {strides = array<i32>} : memref<4x16xf32, #tpu.memory_space<vmem>>, vector<16xf32>,
    %swap3A_83 = arith.constant 2 : i32
    %swap3A_84 = arith.index_cast %swap3A_83 : i32 to index
    %swap3A_85 = arith.constant 0 : index
    %swap3A_86 = tpu.vector_load %arg10[%swap3A_84, %swap3A_85] {strides = array<i32>} : memref<4x16xf32, #tpu.memory_space<vmem>>, vector<16xf32>,
    tpu.vector_store %arg10[%swap3A_84, %swap3A_85], %parallel_loop3A_75#2 {strides = array<i32>} : memref<4x16xf32, #tpu.memory_space<vmem>>, vector<16xf32>,
    %swap3A_87 = arith.constant 3 : i32
    %swap3A_88 = arith.index_cast %swap3A_87 : i32 to index
    %swap3A_89 = arith.constant 0 : index
    %swap3A_90 = tpu.vector_load %arg10[%swap3A_88, %swap3A_89] {strides = array<i32>} : memref<4x16xf32, #tpu.memory_space<vmem>>, vector<16xf32>,
    tpu.vector_store %arg10[%swap3A_88, %swap3A_89], %parallel_loop3A_75#3 {strides = array<i32>} : memref<4x16xf32, #tpu.memory_space<vmem>>, vector<16xf32>,
    %run_scoped3A = arith.constant 0 : i32
    %run_scoped3A_91 = arith.constant 0 : i32
    "tpu.region"() ({
      %run_scoped3A_98 = tpu.sem_alloc : memref<!tpu.dma_semaphore, #tpu.memory_space<semaphore_mem>>
      %dma_start3A_99 = arith.constant 0 : i32
      %dma_start3A_100 = tpu.memref_slice %arg10[%run_scoped3A, %dma_start3A_99] : memref<4x16xf32, #tpu.memory_space<vmem>> -> memref<1x16xf32, #tpu.memory_space<vmem>>
      %dma_start3A_101 = tpu.memref_squeeze %dma_start3A_100 : memref<1x16xf32, #tpu.memory_space<vmem>> -> memref<16xf32, #tpu.memory_space<vmem>>
      %dma_start3A_102 = arith.constant 0 : i32
      %dma_start3A_103 = tpu.memref_slice %arg5[%rem3A_1, %run_scoped3A_91, %select_n3A, %dma_start3A_102] : memref<8x4x4x16xf32, #tpu.memory_space<hbm>> -> memref<1x1x1x16xf32, #tpu.memory_space<hbm>>
      %dma_start3A_104 = tpu.memref_squeeze %dma_start3A_103 : memref<1x1x1x16xf32, #tpu.memory_space<hbm>> -> memref<16xf32, #tpu.memory_space<hbm>>
      %dma_start3A_105 = arith.constant 0 : i32
      %dma_start3A_106 = tpu.memref_slice %arg5[%rem3A_1, %run_scoped3A_91, %select_n3A, %dma_start3A_105] : memref<8x4x4x16xf32, #tpu.memory_space<hbm>> -> memref<1x1x1x16xf32, #tpu.memory_space<hbm>>
      %dma_start3A_107 = tpu.memref_squeeze %dma_start3A_106 : memref<1x1x1x16xf32, #tpu.memory_space<hbm>> -> memref<16xf32, #tpu.memory_space<hbm>>
      %dma_start3A_108 = arith.constant 0 : i32
      %dma_start3A_109 = tpu.memref_slice %arg10[%run_scoped3A, %dma_start3A_108] : memref<4x16xf32, #tpu.memory_space<vmem>> -> memref<1x16xf32, #tpu.memory_space<vmem>>
      %dma_start3A_110 = tpu.memref_squeeze %dma_start3A_109 : memref<1x16xf32, #tpu.memory_space<vmem>> -> memref<16xf32, #tpu.memory_space<vmem>>
      tpu.enqueue_dma source(%dma_start3A_110 : memref<16xf32, #tpu.memory_space<vmem>>) target(%dma_start3A_107 : memref<16xf32, #tpu.memory_space<hbm>>) target_semaphore(%run_scoped3A_98 : memref<!tpu.dma_semaphore, #tpu.memory_space<semaphore_mem>>)
      %dma_wait3A_111 = arith.constant 0 : i32
      %dma_wait3A_112 = tpu.memref_slice %arg10[%run_scoped3A, %dma_wait3A_111] : memref<4x16xf32, #tpu.memory_space<vmem>> -> memref<1x16xf32, #tpu.memory_space<vmem>>
      %dma_wait3A_113 = tpu.memref_squeeze %dma_wait3A_112 : memref<1x16xf32, #tpu.memory_space<vmem>> -> memref<16xf32, #tpu.memory_space<vmem>>
      %dma_wait3A_114 = arith.constant 0 : i32
      %dma_wait3A_115 = tpu.memref_slice %arg5[%rem3A_1, %run_scoped3A_91, %select_n3A, %dma_wait3A_114] : memref<8x4x4x16xf32, #tpu.memory_space<hbm>> -> memref<1x1x1x16xf32, #tpu.memory_space<hbm>>
      %dma_wait3A_116 = tpu.memref_squeeze %dma_wait3A_115 : memref<1x1x1x16xf32, #tpu.memory_space<hbm>> -> memref<16xf32, #tpu.memory_space<hbm>>
      %dma_wait3A_117 = arith.constant 0 : i32
      %dma_wait3A_118 = tpu.memref_slice %arg5[%rem3A_1, %run_scoped3A_91, %select_n3A, %dma_wait3A_117] : memref<8x4x4x16xf32, #tpu.memory_space<hbm>> -> memref<1x1x1x16xf32, #tpu.memory_space<hbm>>
      %dma_wait3A_119 = tpu.memref_squeeze %dma_wait3A_118 : memref<1x1x1x16xf32, #tpu.memory_space<hbm>> -> memref<16xf32, #tpu.memory_space<hbm>>
      %dma_wait3A_120 = arith.constant 0 : i32
      %dma_wait3A_121 = tpu.memref_slice %arg10[%run_scoped3A, %dma_wait3A_120] : memref<4x16xf32, #tpu.memory_space<vmem>> -> memref<1x16xf32, #tpu.memory_space<vmem>>
      %dma_wait3A_122 = tpu.memref_squeeze %dma_wait3A_121 : memref<1x16xf32, #tpu.memory_space<vmem>> -> memref<16xf32, #tpu.memory_space<vmem>>
      tpu.wait_dma2 semaphore(%run_scoped3A_98 : memref<!tpu.dma_semaphore, #tpu.memory_space<semaphore_mem>>) src(%dma_wait3A_122 : memref<16xf32, #tpu.memory_space<vmem>>) dst(%dma_wait3A_119 : memref<16xf32, #tpu.memory_space<hbm>>)
      tpu.yield
    }) : () -> ()
    %run_scoped3A_92 = arith.constant 1 : i32
    %run_scoped3A_93 = arith.constant 1 : i32
    "tpu.region"() ({
      %run_scoped3A_98 = tpu.sem_alloc : memref<!tpu.dma_semaphore, #tpu.memory_space<semaphore_mem>>
      %dma_start3A_99 = arith.constant 0 : i32
      %dma_start3A_100 = tpu.memref_slice %arg10[%run_scoped3A_92, %dma_start3A_99] : memref<4x16xf32, #tpu.memory_space<vmem>> -> memref<1x16xf32, #tpu.memory_space<vmem>>
      %dma_start3A_101 = tpu.memref_squeeze %dma_start3A_100 : memref<1x16xf32, #tpu.memory_space<vmem>> -> memref<16xf32, #tpu.memory_space<vmem>>
      %dma_start3A_102 = arith.constant 0 : i32
      %dma_start3A_103 = tpu.memref_slice %arg5[%rem3A_1, %run_scoped3A_93, %select_n3A, %dma_start3A_102] : memref<8x4x4x16xf32, #tpu.memory_space<hbm>> -> memref<1x1x1x16xf32, #tpu.memory_space<hbm>>
      %dma_start3A_104 = tpu.memref_squeeze %dma_start3A_103 : memref<1x1x1x16xf32, #tpu.memory_space<hbm>> -> memref<16xf32, #tpu.memory_space<hbm>>
      %dma_start3A_105 = arith.constant 0 : i32
      %dma_start3A_106 = tpu.memref_slice %arg5[%rem3A_1, %run_scoped3A_93, %select_n3A, %dma_start3A_105] : memref<8x4x4x16xf32, #tpu.memory_space<hbm>> -> memref<1x1x1x16xf32, #tpu.memory_space<hbm>>
      %dma_start3A_107 = tpu.memref_squeeze %dma_start3A_106 : memref<1x1x1x16xf32, #tpu.memory_space<hbm>> -> memref<16xf32, #tpu.memory_space<hbm>>
      %dma_start3A_108 = arith.constant 0 : i32
      %dma_start3A_109 = tpu.memref_slice %arg10[%run_scoped3A_92, %dma_start3A_108] : memref<4x16xf32, #tpu.memory_space<vmem>> -> memref<1x16xf32, #tpu.memory_space<vmem>>
      %dma_start3A_110 = tpu.memref_squeeze %dma_start3A_109 : memref<1x16xf32, #tpu.memory_space<vmem>> -> memref<16xf32, #tpu.memory_space<vmem>>
      tpu.enqueue_dma source(%dma_start3A_110 : memref<16xf32, #tpu.memory_space<vmem>>) target(%dma_start3A_107 : memref<16xf32, #tpu.memory_space<hbm>>) target_semaphore(%run_scoped3A_98 : memref<!tpu.dma_semaphore, #tpu.memory_space<semaphore_mem>>)
      %dma_wait3A_111 = arith.constant 0 : i32
      %dma_wait3A_112 = tpu.memref_slice %arg10[%run_scoped3A_92, %dma_wait3A_111] : memref<4x16xf32, #tpu.memory_space<vmem>> -> memref<1x16xf32, #tpu.memory_space<vmem>>
      %dma_wait3A_113 = tpu.memref_squeeze %dma_wait3A_112 : memref<1x16xf32, #tpu.memory_space<vmem>> -> memref<16xf32, #tpu.memory_space<vmem>>
      %dma_wait3A_114 = arith.constant 0 : i32
      %dma_wait3A_115 = tpu.memref_slice %arg5[%rem3A_1, %run_scoped3A_93, %select_n3A, %dma_wait3A_114] : memref<8x4x4x16xf32, #tpu.memory_space<hbm>> -> memref<1x1x1x16xf32, #tpu.memory_space<hbm>>
      %dma_wait3A_116 = tpu.memref_squeeze %dma_wait3A_115 : memref<1x1x1x16xf32, #tpu.memory_space<hbm>> -> memref<16xf32, #tpu.memory_space<hbm>>
      %dma_wait3A_117 = arith.constant 0 : i32
      %dma_wait3A_118 = tpu.memref_slice %arg5[%rem3A_1, %run_scoped3A_93, %select_n3A, %dma_wait3A_117] : memref<8x4x4x16xf32, #tpu.memory_space<hbm>> -> memref<1x1x1x16xf32, #tpu.memory_space<hbm>>
      %dma_wait3A_119 = tpu.memref_squeeze %dma_wait3A_118 : memref<1x1x1x16xf32, #tpu.memory_space<hbm>> -> memref<16xf32, #tpu.memory_space<hbm>>
      %dma_wait3A_120 = arith.constant 0 : i32
      %dma_wait3A_121 = tpu.memref_slice %arg10[%run_scoped3A_92, %dma_wait3A_120] : memref<4x16xf32, #tpu.memory_space<vmem>> -> memref<1x16xf32, #tpu.memory_space<vmem>>
      %dma_wait3A_122 = tpu.memref_squeeze %dma_wait3A_121 : memref<1x16xf32, #tpu.memory_space<vmem>> -> memref<16xf32, #tpu.memory_space<vmem>>
      tpu.wait_dma2 semaphore(%run_scoped3A_98 : memref<!tpu.dma_semaphore, #tpu.memory_space<semaphore_mem>>) src(%dma_wait3A_122 : memref<16xf32, #tpu.memory_space<vmem>>) dst(%dma_wait3A_119 : memref<16xf32, #tpu.memory_space<hbm>>)
      tpu.yield
    }) : () -> ()
    %run_scoped3A_94 = arith.constant 2 : i32
    %run_scoped3A_95 = arith.constant 2 : i32
    "tpu.region"() ({
      %run_scoped3A_98 = tpu.sem_alloc : memref<!tpu.dma_semaphore, #tpu.memory_space<semaphore_mem>>
      %dma_start3A_99 = arith.constant 0 : i32
      %dma_start3A_100 = tpu.memref_slice %arg10[%run_scoped3A_94, %dma_start3A_99] : memref<4x16xf32, #tpu.memory_space<vmem>> -> memref<1x16xf32, #tpu.memory_space<vmem>>
      %dma_start3A_101 = tpu.memref_squeeze %dma_start3A_100 : memref<1x16xf32, #tpu.memory_space<vmem>> -> memref<16xf32, #tpu.memory_space<vmem>>
      %dma_start3A_102 = arith.constant 0 : i32
      %dma_start3A_103 = tpu.memref_slice %arg5[%rem3A_1, %run_scoped3A_95, %select_n3A, %dma_start3A_102] : memref<8x4x4x16xf32, #tpu.memory_space<hbm>> -> memref<1x1x1x16xf32, #tpu.memory_space<hbm>>
      %dma_start3A_104 = tpu.memref_squeeze %dma_start3A_103 : memref<1x1x1x16xf32, #tpu.memory_space<hbm>> -> memref<16xf32, #tpu.memory_space<hbm>>
      %dma_start3A_105 = arith.constant 0 : i32
      %dma_start3A_106 = tpu.memref_slice %arg5[%rem3A_1, %run_scoped3A_95, %select_n3A, %dma_start3A_105] : memref<8x4x4x16xf32, #tpu.memory_space<hbm>> -> memref<1x1x1x16xf32, #tpu.memory_space<hbm>>
      %dma_start3A_107 = tpu.memref_squeeze %dma_start3A_106 : memref<1x1x1x16xf32, #tpu.memory_space<hbm>> -> memref<16xf32, #tpu.memory_space<hbm>>
      %dma_start3A_108 = arith.constant 0 : i32
      %dma_start3A_109 = tpu.memref_slice %arg10[%run_scoped3A_94, %dma_start3A_108] : memref<4x16xf32, #tpu.memory_space<vmem>> -> memref<1x16xf32, #tpu.memory_space<vmem>>
      %dma_start3A_110 = tpu.memref_squeeze %dma_start3A_109 : memref<1x16xf32, #tpu.memory_space<vmem>> -> memref<16xf32, #tpu.memory_space<vmem>>
      tpu.enqueue_dma source(%dma_start3A_110 : memref<16xf32, #tpu.memory_space<vmem>>) target(%dma_start3A_107 : memref<16xf32, #tpu.memory_space<hbm>>) target_semaphore(%run_scoped3A_98 : memref<!tpu.dma_semaphore, #tpu.memory_space<semaphore_mem>>)
      %dma_wait3A_111 = arith.constant 0 : i32
      %dma_wait3A_112 = tpu.memref_slice %arg10[%run_scoped3A_94, %dma_wait3A_111] : memref<4x16xf32, #tpu.memory_space<vmem>> -> memref<1x16xf32, #tpu.memory_space<vmem>>
      %dma_wait3A_113 = tpu.memref_squeeze %dma_wait3A_112 : memref<1x16xf32, #tpu.memory_space<vmem>> -> memref<16xf32, #tpu.memory_space<vmem>>
      %dma_wait3A_114 = arith.constant 0 : i32
      %dma_wait3A_115 = tpu.memref_slice %arg5[%rem3A_1, %run_scoped3A_95, %select_n3A, %dma_wait3A_114] : memref<8x4x4x16xf32, #tpu.memory_space<hbm>> -> memref<1x1x1x16xf32, #tpu.memory_space<hbm>>
      %dma_wait3A_116 = tpu.memref_squeeze %dma_wait3A_115 : memref<1x1x1x16xf32, #tpu.memory_space<hbm>> -> memref<16xf32, #tpu.memory_space<hbm>>
      %dma_wait3A_117 = arith.constant 0 : i32
      %dma_wait3A_118 = tpu.memref_slice %arg5[%rem3A_1, %run_scoped3A_95, %select_n3A, %dma_wait3A_117] : memref<8x4x4x16xf32, #tpu.memory_space<hbm>> -> memref<1x1x1x16xf32, #tpu.memory_space<hbm>>
      %dma_wait3A_119 = tpu.memref_squeeze %dma_wait3A_118 : memref<1x1x1x16xf32, #tpu.memory_space<hbm>> -> memref<16xf32, #tpu.memory_space<hbm>>
      %dma_wait3A_120 = arith.constant 0 : i32
      %dma_wait3A_121 = tpu.memref_slice %arg10[%run_scoped3A_94, %dma_wait3A_120] : memref<4x16xf32, #tpu.memory_space<vmem>> -> memref<1x16xf32, #tpu.memory_space<vmem>>
      %dma_wait3A_122 = tpu.memref_squeeze %dma_wait3A_121 : memref<1x16xf32, #tpu.memory_space<vmem>> -> memref<16xf32, #tpu.memory_space<vmem>>
      tpu.wait_dma2 semaphore(%run_scoped3A_98 : memref<!tpu.dma_semaphore, #tpu.memory_space<semaphore_mem>>) src(%dma_wait3A_122 : memref<16xf32, #tpu.memory_space<vmem>>) dst(%dma_wait3A_119 : memref<16xf32, #tpu.memory_space<hbm>>)
      tpu.yield
    }) : () -> ()
    %run_scoped3A_96 = arith.constant 3 : i32
    %run_scoped3A_97 = arith.constant 3 : i32
    "tpu.region"() ({
      %run_scoped3A_98 = tpu.sem_alloc : memref<!tpu.dma_semaphore, #tpu.memory_space<semaphore_mem>>
      %dma_start3A_99 = arith.constant 0 : i32
      %dma_start3A_100 = tpu.memref_slice %arg10[%run_scoped3A_96, %dma_start3A_99] : memref<4x16xf32, #tpu.memory_space<vmem>> -> memref<1x16xf32, #tpu.memory_space<vmem>>
      %dma_start3A_101 = tpu.memref_squeeze %dma_start3A_100 : memref<1x16xf32, #tpu.memory_space<vmem>> -> memref<16xf32, #tpu.memory_space<vmem>>
      %dma_start3A_102 = arith.constant 0 : i32
      %dma_start3A_103 = tpu.memref_slice %arg5[%rem3A_1, %run_scoped3A_97, %select_n3A, %dma_start3A_102] : memref<8x4x4x16xf32, #tpu.memory_space<hbm>> -> memref<1x1x1x16xf32, #tpu.memory_space<hbm>>
      %dma_start3A_104 = tpu.memref_squeeze %dma_start3A_103 : memref<1x1x1x16xf32, #tpu.memory_space<hbm>> -> memref<16xf32, #tpu.memory_space<hbm>>
      %dma_start3A_105 = arith.constant 0 : i32
      %dma_start3A_106 = tpu.memref_slice %arg5[%rem3A_1, %run_scoped3A_97, %select_n3A, %dma_start3A_105] : memref<8x4x4x16xf32, #tpu.memory_space<hbm>> -> memref<1x1x1x16xf32, #tpu.memory_space<hbm>>
      %dma_start3A_107 = tpu.memref_squeeze %dma_start3A_106 : memref<1x1x1x16xf32, #tpu.memory_space<hbm>> -> memref<16xf32, #tpu.memory_space<hbm>>
      %dma_start3A_108 = arith.constant 0 : i32
      %dma_start3A_109 = tpu.memref_slice %arg10[%run_scoped3A_96, %dma_start3A_108] : memref<4x16xf32, #tpu.memory_space<vmem>> -> memref<1x16xf32, #tpu.memory_space<vmem>>
      %dma_start3A_110 = tpu.memref_squeeze %dma_start3A_109 : memref<1x16xf32, #tpu.memory_space<vmem>> -> memref<16xf32, #tpu.memory_space<vmem>>
      tpu.enqueue_dma source(%dma_start3A_110 : memref<16xf32, #tpu.memory_space<vmem>>) target(%dma_start3A_107 : memref<16xf32, #tpu.memory_space<hbm>>) target_semaphore(%run_scoped3A_98 : memref<!tpu.dma_semaphore, #tpu.memory_space<semaphore_mem>>)
      %dma_wait3A_111 = arith.constant 0 : i32
      %dma_wait3A_112 = tpu.memref_slice %arg10[%run_scoped3A_96, %dma_wait3A_111] : memref<4x16xf32, #tpu.memory_space<vmem>> -> memref<1x16xf32, #tpu.memory_space<vmem>>
      %dma_wait3A_113 = tpu.memref_squeeze %dma_wait3A_112 : memref<1x16xf32, #tpu.memory_space<vmem>> -> memref<16xf32, #tpu.memory_space<vmem>>
      %dma_wait3A_114 = arith.constant 0 : i32
      %dma_wait3A_115 = tpu.memref_slice %arg5[%rem3A_1, %run_scoped3A_97, %select_n3A, %dma_wait3A_114] : memref<8x4x4x16xf32, #tpu.memory_space<hbm>> -> memref<1x1x1x16xf32, #tpu.memory_space<hbm>>
      %dma_wait3A_116 = tpu.memref_squeeze %dma_wait3A_115 : memref<1x1x1x16xf32, #tpu.memory_space<hbm>> -> memref<16xf32, #tpu.memory_space<hbm>>
      %dma_wait3A_117 = arith.constant 0 : i32
      %dma_wait3A_118 = tpu.memref_slice %arg5[%rem3A_1, %run_scoped3A_97, %select_n3A, %dma_wait3A_117] : memref<8x4x4x16xf32, #tpu.memory_space<hbm>> -> memref<1x1x1x16xf32, #tpu.memory_space<hbm>>
      %dma_wait3A_119 = tpu.memref_squeeze %dma_wait3A_118 : memref<1x1x1x16xf32, #tpu.memory_space<hbm>> -> memref<16xf32, #tpu.memory_space<hbm>>
      %dma_wait3A_120 = arith.constant 0 : i32
      %dma_wait3A_121 = tpu.memref_slice %arg10[%run_scoped3A_96, %dma_wait3A_120] : memref<4x16xf32, #tpu.memory_space<vmem>> -> memref<1x16xf32, #tpu.memory_space<vmem>>
      %dma_wait3A_122 = tpu.memref_squeeze %dma_wait3A_121 : memref<1x16xf32, #tpu.memory_space<vmem>> -> memref<16xf32, #tpu.memory_space<vmem>>
      tpu.wait_dma2 semaphore(%run_scoped3A_98 : memref<!tpu.dma_semaphore, #tpu.memory_space<semaphore_mem>>) src(%dma_wait3A_122 : memref<16xf32, #tpu.memory_space<vmem>>) dst(%dma_wait3A_119 : memref<16xf32, #tpu.memory_space<hbm>>)
      tpu.yield
    }) : () -> ()
    return
  }
}

</mosaic_0001>

<sc_bundles>
// kernel: _sc_energy.3.cloned.1.call-start
scs
__scs_entry_jumppad:
0x0: {  	(pc) =	sbr.rel $0x88, $3  }
0x1: {  	(tag) =	ssettag $0x0;
	lr =	simm.s32 $0x1  }
0x2: {  	[smem:$0x3F9E] =	sst lr;
	_ =	strace $0xD0000000  }
0x3: {  	_ = 	snop  }
0x4: {  	_ = 	snop  }
0x5: {  	_ = 	snop  }
0x6: {  	_ = 	snop  }
0x7: {  	_ = 	snop  }
__scs_overlays_trampoline_lowered:
0x8: {  	[smem:$0x3FAD] =	sst s0  }
0x9: {  	[smem:$0x3FAE] =	sst s1  }
0xa: {  	[smem:$0x3FAF] =	sst s2  }
0xb: {  	[smem:$0x3FB0] =	sst s3  }
0xc: {  	[smem:$0x3FB1] =	sst s4  }
0xd: {  	[smem:$0x3FB2] =	sst s5  }
0xe: {  	[smem:$0x3FB3] =	sst s6  }
0xf: {  	[smem:$0x3FB4] =	sst s7  }
0x10: {  	[smem:$0x3FB5] =	sst s8  }
0x11: {  	[smem:$0x3FB6] =	sst s9;
	s0 =	simm.s32 @!p0 $0x0  }
0x12: {  	s1 =	sld [smem:$0x3F9C];
	s0 =	simm.s32 @p0 $0x1  }
0x13: {  	[smem:$0x3FB7] =	sst s0;
	s0 =	simm.s32 @!p1 $0x0  }
0x14: {  	s2 =	sld [smem:$0x3F9B];
	s0 =	simm.s32 @p1 $0x1  }
0x15: {  	[smem:$0x3FB8] =	sst s0;
	s0 =	simm.s32 @!p2 $0x0  }
0x16: {  	s3 =	sld [smem:$0x3FDB];
	s0 =	simm.s32 @p2 $0x1  }
0x17: {  	s4 =	simm.s32 $0x1BF5;
	[smem:$0x3FBA] =	sst s0  }
0x18: {  	s0 =	sld [smem:$0x3F9D];
	_ =	swait.ge [sflag:s4], $0x0  }
0x19: {  	s7 =	sld [smem:$0x3F9E]  }
0x1a: {  	s8 =	sadd.s32 $0xFFFFE003, lr  }
0x1b: {  	s9 =	sadd.s32 $0xFFFFFEF7, lr;
	s5 =	simm.s32 $0xFFFFFFFF;
	p2 =	slt.u32 s8, $0xFFFFF086  }
0x1c: {  	p1 =	slt.u32 s9, $0xF7A;
	s5 =	simm.s32 @!p2 $0x0  }
0x1d: {  	s5 =	simm.s32 @p1 $0x1;
	p0 =	seq.s32 s7, s2  }
0x1e: {  	s7 =	smul.u32 @!p0 $0xF7A, s2;
	p2 =	seq.s32 @!p0 s5, $0x0  }
0x1f: {  	s9 =	smul.u32 $0xF7A, s1;
	s8 =	simm.s32 @!p0 $0x1BF5;
	p2 =	por !p2, p0  }
0x20: {  	[sflag:s8] =	ssyncset.s32 @!p0 $0xFFFFF086;
	s6 =	sadd.s32 @!p0 s3, s7;
	s7 =	simm.s32 @!p0 $0x108  }
0x21: {  	s3 =	sadd.s32 s3, s9;
	s6 =	sadd.s32 @!p0 $0x88, s6;
	s7 =	simm.s32 @p2 $0x1082  }
0x22: {  	[simem:s7], [sflag:s8] =	dma.local @!p0 [hbm:s6], $0xF7A  }
0x23: {  	s9 =	sor.u32 $0xD0000000, s2;
	s6 =	simm.s32 $0x108;
	_ =	swait.ge @!p0 [sflag:s8], $0x0  }
0x24: {  	s3 =	sadd.s32 $0x88, s3;
	s6 =	simm.s32 @!p1 $0x1082;
	[sflag:s4] =	ssyncset.s32 $0xFFFFF086  }
0x25: {  	[simem:s6], [sflag:s4] =	dma.local [hbm:s3], $0xF7A  }
0x26: {  	[smem:$0x3F9E] =	sst s1;
	(tag) =	ssettag s2;
	_ =	strace s9  }
0x27: {  	s1 =	sld [smem:$0x3FAE]  }
0x28: {  	s2 =	sld [smem:$0x3FAF]  }
0x29: {  	s4 =	sld [smem:$0x3FB1]  }
0x2a: {  	p0 =	seq.s32 s5, $0x0;
	s5 =	sld [smem:$0x3FB2]  }
0x2b: {  	s6 =	sld [smem:$0x3FB3]  }
0x2c: {  	s7 =	sld [smem:$0x3FB4]  }
0x2d: {  	s3 =	simm.s32 $0x108;
	s8 =	sld [smem:$0x3FB5]  }
0x2e: {  	s3 =	simm.s32 @!p0 $0x1082;
	s9 =	sld [smem:$0x3FB6]  }
0x2f: {  	lr =	sadd.s32 s0, s3;
	s0 =	sld [smem:$0x3FAD]  }
0x30: {  	s3 =	sld [smem:$0x3FB0]  }
0x31: {  	[smem:$0x3FB9] =	sst s10  }
0x32: {  	s10 =	sld [smem:$0x3FB7];
	_ =	sdelay $0x3  }
0x33: {  	p0 =	seq.s32 s10, $0x1;
	s10 =	sld [smem:$0x3FB9];
	_ =	sdelay $0x3  }
0x34: {  	[smem:$0x3FB9] =	sst s10  }
0x35: {  	s10 =	sld [smem:$0x3FB8];
	_ =	sdelay $0x3  }
0x36: {  	p1 =	seq.s32 s10, $0x1;
	s10 =	sld [smem:$0x3FB9];
	_ =	sdelay $0x3  }
0x37: {  	[smem:$0x3FB9] =	sst s10  }
0x38: {  	s10 =	sld [smem:$0x3FBA]  }
0x39: {  	_ = 	snop;
	(pc) =	sbr.ind lr, $3  }
0x3a: {  	_ = 	snop  }
0x3b: {  	_ = 	snop  }
0x3c: {  	p2 =	seq.s32 s10, $0x1;
	s10 =	sld [smem:$0x3FB9]  }
0x3d: {  	_ =	shalt  }
0x3e: {  	_ =	shalt  }
0x3f: {  	_ =	shalt  }
0x40: {  	_ =	shalt  }
0x41: {  	_ =	shalt  }
0x42: {  	_ =	shalt  }
0x43: {  	_ =	shalt  }
0x44: {  	_ =	shalt  }
0x45: {  	_ =	shalt  }
0x46: {  	_ =	shalt  }
0x47: {  	_ =	shalt  }
0x48: {  	_ =	shalt  }
0x49: {  	_ =	shalt  }
0x4a: {  	_ =	shalt  }
0x4b: {  	_ =	shalt  }
0x4c: {  	_ =	shalt  }
0x4d: {  	_ =	shalt  }
0x4e: {  	_ =	shalt  }
0x4f: {  	_ =	shalt  }
0x50: {  	_ =	shalt  }
0x51: {  	_ =	shalt  }
0x52: {  	_ =	shalt  }
0x53: {  	_ =	shalt  }
0x54: {  	_ =	shalt  }
0x55: {  	_ =	shalt  }
0x56: {  	_ =	shalt  }
0x57: {  	_ =	shalt  }
0x58: {  	_ =	shalt  }
0x59: {  	_ =	shalt  }
0x5a: {  	_ =	shalt  }
0x5b: {  	_ =	shalt  }
0x5c: {  	_ =	shalt  }
0x5d: {  	_ =	shalt  }
0x5e: {  	_ =	shalt  }
0x5f: {  	_ =	shalt  }
0x60: {  	_ =	shalt  }
0x61: {  	_ =	shalt  }
0x62: {  	_ =	shalt  }
0x63: {  	_ =	shalt  }
0x64: {  	_ =	shalt  }
0x65: {  	_ =	shalt  }
0x66: {  	_ =	shalt  }
0x67: {  	_ =	shalt  }
0x68: {  	_ =	shalt  }
0x69: {  	_ =	shalt  }
0x6a: {  	_ =	shalt  }
0x6b: {  	_ =	shalt  }
0x6c: {  	_ =	shalt  }
0x6d: {  	_ =	shalt  }
0x6e: {  	_ =	shalt  }
0x6f: {  	_ =	shalt  }
0x70: {  	_ =	shalt  }
0x71: {  	_ =	shalt  }
0x72: {  	_ =	shalt  }
0x73: {  	_ =	shalt  }
0x74: {  	_ =	shalt  }
0x75: {  	_ =	shalt  }
0x76: {  	_ =	shalt  }
0x77: {  	_ =	shalt  }
0x78: {  	_ =	shalt  }
0x79: {  	_ =	shalt  }
0x7a: {  	_ =	shalt  }
0x7b: {  	_ =	shalt  }
0x7c: {  	_ =	shalt  }
0x7d: {  	_ =	shalt  }
0x7e: {  	_ =	shalt  }
0x7f: {  	_ =	shalt  }
0x80: {  	_ =	shalt  }
0x81: {  	_ =	shalt  }
0x82: {  	_ =	shalt  }
0x83: {  	_ =	shalt  }
0x84: {  	_ =	shalt  }
0x85: {  	_ =	shalt  }
0x86: {  	_ =	shalt  }
0x87: {  	_ =	shalt  }
.Lfunc_end0:
.L_simem_size_0:
called_computation_lowered:
.L_overlay_start_0:
0x88: {  	s2 =	sld [smem:$0x3FD9]  }
0x89: {  	s3 =	sld [smem:$0x3FFE];
	_ =	sdelay $0x1  }
0x8a: {  	s1 =	srdreg.scid  }
0x8b: {  	s0 =	sand.u32 $0x1, s1  }
0x8c: {  	s18 =	sshll.u32 s0, $0xA;
	s2 =	sadd.s32 s3, s2  }
0x8d: {  	s2 =	sadd.s32 s2, s18  }
0x8e: {  	[smem:$0x3FC5] =	sst s2  }
0x8f: {  	_ = 	snop  }
0x90: {  	s2 =	sld [smem:$0x3FC9]  }
0x91: {  	s19 =	sld [smem:$0x3FC8]  }
0x92: {  	s4 =	sld [smem:$0x3FC7]  }
0x93: {  	s5 =	sld [smem:$0x3FD0];
	(tm) =	ssettm $0x1  }
0x94: {  	s6 =	sld [smem:$0x3FFB];
	_ =	sdelay $0x3  }
0x95: {  	_ =	strace s6  }
0x96: {  	s6 =	sld [smem:$0x3FFC];
	_ =	sdelay $0x3  }
0x97: {  	_ =	strace s6  }
0x98: {  	s6 =	sld [smem:$0x3FFD];
	_ =	sdelay $0x3  }
0x99: {  	_ =	strace s6  }
0x9a: {  	_ =	strace $0x8FFFFFFF  }
0x9b: {  	s20 =	sld [smem:$0x3FDB];
	_ =	sdelay $0x1  }
0x9c: {  	s7 =	simm.s32 $_scs_section_size  }
0x9d: {  	s8 =	simm.s32 $_size__tile_overlayer_lowered;
	s9 =	simm.s32 $_tile_overlayer_lowered  }
0x9e: {  	s23 =	simm.s32 $0x1BFF;
	s22 =	sshll.u32 s9, $0x1;
	s6 =	sadd.s32 s7, s20  }
0x9f: {  	s10 =	simm.s32 $0x0;
	s21 =	sshll.u32 s8, $0x1;
	s8 =	sadd.s32 s22, s6  }
0xa0: {  	[timem:s10], [sflag:s23] =	dma.local [hbm:s8], s21  }
0xa1: {  	_ =	swait.ge [sflag:s23], s21  }
0xa2: {  	s7 =	ssub.s32 $0x0, s21;
	[sflag:s23] =	ssyncset.done $0x0  }
0xa3: {  	[sflag:s23] =	ssyncadd.s32 s7;
	_ =	sdelay $0x1  }
0xa4: {  	s24 =	simm.s32 $0x1B8B  }
0xa5: {  	_ =	swait.ge [sflag:s24], $0x1  }
0xa6: {  	[sflag:s24] =	ssyncset.done $0x0  }
0xa7: {  	s25 =	simm.s32 $0x1B8E;
	[sflag:s24] =	ssyncadd.s32 $0xFFFFFFFF  }
0xa8: {  	s26 =	simm.s32 $execute0_lowered;
	[smem:$0x3FD2] =	sst s25  }
0xa9: {  	s7 =	sshll.u32 s26, $0x1;
	_ =	strace $0x80000046;
	[dreg:$0x1] =	wrdreg $0xFFFFFFFF  }
0xaa: {  	s28 =	simm.s32 $_size_execute0_lowered;
	s6 =	sadd.s32 s6, s7;
	[dreg:$0x0] =	wrdreg $0x0  }
0xab: {  	s7 =	sshll.u32 s28, $0x1;
	[dreg:$0x2] =	wrdreg s6  }
0xac: {  	[dreg:$0x3] =	wrdreg s7  }
0xad: {  	[dreg:$0x4] =	wrdreg $0xC0  }
0xae: {  	_ =	task [dreg:s10], $0x5FFFF  }
0xaf: {  	[dreg:$0x1] =	wrdreg $0xFFFFFFFF  }
0xb0: {  	[dreg:$0x0] =	wrdreg $0x60  }
0xb1: {  	[dreg:$0x2] =	wrdreg s2  }
0xb2: {  	[dreg:$0x3] =	wrdreg s19  }
0xb3: {  	[dreg:$0x4] =	wrdreg s4  }
0xb4: {  	[dreg:$0x5] =	wrdreg s5  }
0xb5: {  	[dreg:$0x6] =	wrdreg $0x9  }
0xb6: {  	_ =	task.clear_ibuf [dreg:s10], $0x7FFFF;
	_ =	strace $0x90000046  }
0xb7: {  	s29 =	simm.s32 $0x9;
	_ =	strace $0x80000048  }
0xb8: {  	_ =	swait.ge [sflag:s29], $0x1  }
0xb9: {  	[sflag:s29] =	ssyncadd.s32 $0xFFFFFFFF  }
0xba: {  	_ =	strace $0x90000048  }
0xbb: {  	_ =	sfence  }
0xbc: {  	s30 =	sld [smem:$0x0];
	_ =	sdelay $0x2  }
0xbd: {  	s31 =	sshll.u32 s1, $0xD;
	s1 =	sshrl.u32 s1, $0x2  }
0xbe: {  	s3 =	sand.u32 $0x4000, s31;
	s1 =	sadd.s32 s1, s30  }
0xbf: {  	s0 =	sor.u32 s3, s0;
	s1 =	sshll.u32 s1, $0x11  }
0xc0: {  	s0 =	sor.u32 s1, s0  }
0xc1: {  	s0 =	sadd.s32 $0x8F2B, s0  }
0xc2: {  	[sflag:s0] =	ssyncadd.remote.s32 $0x1  }
0xc3: {  	_ =	sfence.sel $0xFFFF  }
0xc4: {  	[dreg:$0x0] =	wrdreg $0xFFFFFFFF;
	(pc) =	sbr.abs _section_cstart, $3  }
0xc5: {  	[dreg:$0x1] =	wrdreg $0xFFFFFFFF  }
0xc6: {  	_ =	task.clear_ibuf [dreg:s10], $0x2FFFF;
	_ =	strace $0x9FFFFFFF  }
0xc7: {  	(tm) =	ssettm $0x7FFFFFFF  }
tec
execute0_lowered:
.L_overlay_start_1:
0x0: {  	(tag) =	ssettag $0x1  }
0x1: {  	s0 =	rddreg [dreg:$0x0]  }
0x2: {  	s1 =	rddreg [dreg:$0x1];
	s7 =	stileid.u32  }
0x3: {  	s3 =	rddreg [dreg:$0x2];
	s2 =	srdreg.scid  }
0x4: {  	s11 =	rddreg [dreg:$0x3];
	s16 =	simm.s32 $0x80;
	s17 =	simm.s32 $0x400  }
0x5: {  	s18 =	simm.s32 $0x3;
	s19 =	simm.s32 $0xC380;
	s20 =	simm.s32 $0x1  }
0x6: {  	s21 =	simm.s32 $0x2;
	s24 =	simm.s32 $0x1BA00;
	s25 =	simm.s32 $0x1BA80  }
0x7: {  	s26 =	simm.s32 $0x0;
	s4 =	sshll.u32 s7, $0x1;
	s7 =	sshrl.u32 s7, $0x2  }
0x8: {  	s2 =	sand.u32 $0x1, s2;
	s4 =	sand.u32 $0x6, s4;
	s10 =	smul.u32 $0x61A80, s7  }
0x9: {  	s12 =	sshll.u32 s7, $0x4;
	s5 =	sor.u32 s2, s4;
	s6 =	sshrl.u32 s4, $0x2  }
0xa: {  	s4 =	simm.s32 $0x0;
	s2 =	ssub.s32 $0x2, s2;
	s6 =	smul.u32 $0x61C00, s6  }
0xb: {  	s9 =	sshll.u32 s5, $0x8;
	[smem:$0x7FF] =	sst s4;
	s29 =	sshrl.u32 s2, $0x1  }
0xc: {  	s30 =	sshrl.u32 s10, $0x3;
	s5 =	sand.u32 $0x300, s9;
	_ =	strace $0x80000047  }
0xd: {  	s2 =	ssub.s32 s2, s29;
	s7 =	sadd.s32 s3, s30;
	s8 =	sadd.s32 s1, s30  }
0xe: {  	s31 =	sor.u32 s12, s9;
	s9 =	sadd.s32 $0xC80, s10;
	s5 =	sor.u32 s6, s5  }
0xf: {  	s10 =	sadd.s32 $0x1900, s10;
	s11 =	sadd.s32 s11, s31;
	s5 =	sshrl.u32 s5, $0x3  }
0x10: {  	s15 =	smax.u32 s2, $0x1;
	s12 =	sadd.s32 $0x40, s11;
	s5 =	sadd.s32 s0, s5  }
0x11: {  	s13 =	sadd.s32 $0x80, s11;
	s14 =	sadd.s32 $0xC0, s11;
	s6 =	sadd.s32 $0x10, s5  }
.LBB2_1:
0x12: {  	[tilespmem:s4], [sflag:$0x3] =	stream.strided.gather [hbm4b:s5+s16], $0xC380, s17, s16, $0x38;
	[tilespmem:$0x1BB00] =	vst v63  }
0x13: {  	_ =	swait.ge [sflag:s18], $0xC380  }
0x14: {  	[sflag:s18] =	ssyncset.done $0x0  }
0x15: {  	[sflag:s18] =	ssyncadd.s32 $0xFFFF3C80  }
0x16: {  	[tilespmem:s19], [sflag:$0x3] =	stream.strided.gather [hbm4b:s6+s16], $0xC380, s17, s16, $0x38;
	[tilespmem:$0x1BB00] =	vst v63  }
0x17: {  	_ =	swait.ge [sflag:s18], $0xC380  }
0x18: {  	s2 =	simm.s32 $0x18700;
	s28 =	simm.s32 $0x10;
	[sflag:s18] =	ssyncset.done $0x0  }
0x19: {  	s22 =	sadd.s32 $0x0, s7;
	s0 =	simm.s32 $0x18800;
	[sflag:s18] =	ssyncadd.s32 $0xFFFF3C80  }
.LBB2_2:
0x1a: {  	[tilespmem:s2], [sflag:$0x1] =	stream.linear.gather [hbm4b:s22+s4], $0x80, $0x38;
	[tilespmem:$0x1BB00] =	vst v63  }
0x1b: {  	s22 =	smov.u32 s28;
	s2 =	smov.u32 s0;
	p0 =	sne.s32 s28, $0x180  }
.Ltmp0:
0x1c: {  	s28 =	sadd.s32 $0x10, s28;
	(pc) =	sbr.rel @p0 .LBB2_2-.Ltmp0, $2  }
0x1d: {  	_ =	sdelay $0x2  }
0x1e: {  	s0 =	sadd.s32 $0x100, s0;
	s22 =	sadd.s32 s22, s7  }
0x1f: {  	[tilespmem:s2], [sflag:$0x1] =	stream.linear.gather [hbm4b:s22+s4], $0x80, $0x38;
	[tilespmem:$0x1BB00] =	vst v63  }
0x20: {  	s28 =	simm.s32 $0x0;
	s0 =	simm.s32 $0x1A000;
	s2 =	simm.s32 $0x0  }
.LBB2_4:
0x21: {  	p0 =	sne.s32 s2, $0x180  }
.Ltmp1:
0x22: {  	_ = 	snop;
	(pc) =	sbr.rel @p0 .LBB2_4-.Ltmp1, $4  }
0x23: {  	_ = 	snop  }
0x24: {  	s22 =	sadd.s32 s2, s8  }
0x25: {  	[tilespmem:s0], [sflag:$0x1] =	stream.linear.gather [hbm4b:s22+s28], $0x80, $0x38;
	[tilespmem:$0x1BB00] =	vst v63  }
0x26: {  	s2 =	sadd.s32 $0x10, s2;
	s0 =	sadd.s32 $0x100, s0  }
0x27: {  	v2 =	vimm.f32 $0.0e+00  }
0x28: {  	v6 =	vimm.f32 $0.0e+00;
	v3 =	vimm.f32 $0.0e+00;
	v5 =	vimm.f32 $0.0e+00  }
.LBB2_6:
0x29: {  	s29 =	smul.u32 $0x1900, s28;
	_ =	sdelay $0x1  }
0x2a: {  	s0 =	sadd.s32 s29, s9  }
0x2b: {  	s2 =	sshrl.u32 s0, $0x3  }
0x2c: {  	s31 =	simm.s32 $0x18780;
	s30 =	sadd.s32 s3, s2  }
0x2d: {  	s22 =	simm.s32 $0x18880;
	s0 =	simm.s32 $0x10;
	s23 =	sadd.s32 $0x0, s30  }
.LBB2_7:
0x2e: {  	[tilespmem:s31], [sflag:$0x2] =	stream.linear.gather [hbm4b:s23+s4], $0x80, $0x38;
	[tilespmem:$0x1BB00] =	vst v63  }
0x2f: {  	s23 =	smov.u32 s0;
	s31 =	smov.u32 s22;
	p0 =	sne.s32 s0, $0x180  }
.Ltmp2:
0x30: {  	s0 =	sadd.s32 $0x10, s0;
	(pc) =	sbr.rel @p0 .LBB2_7-.Ltmp2, $2  }
0x31: {  	_ =	sdelay $0x2  }
0x32: {  	s22 =	sadd.s32 $0x100, s22;
	s23 =	sadd.s32 s23, s30  }
0x33: {  	[tilespmem:s31], [sflag:$0x2] =	stream.linear.gather [hbm4b:s23+s4], $0x80, $0x38;
	[tilespmem:$0x1BB00] =	vst v63  }
0x34: {  	s2 =	sadd.s32 s1, s2;
	s30 =	simm.s32 $0x1A080  }
0x35: {  	s0 =	simm.s32 $0x10;
	s22 =	simm.s32 $0x1A180;
	s23 =	sadd.s32 $0x0, s2  }
.LBB2_9:
0x36: {  	[tilespmem:s30], [sflag:$0x2] =	stream.linear.gather [hbm4b:s23+s4], $0x80, $0x38;
	[tilespmem:$0x1BB00] =	vst v63  }
0x37: {  	s23 =	smov.u32 s0;
	s30 =	smov.u32 s22;
	p0 =	sne.s32 s0, $0x180  }
.Ltmp3:
0x38: {  	s0 =	sadd.s32 $0x10, s0;
	(pc) =	sbr.rel @p0 .LBB2_9-.Ltmp3, $2  }
0x39: {  	_ =	sdelay $0x2  }
0x3a: {  	s22 =	sadd.s32 $0x100, s22;
	s23 =	sadd.s32 s23, s2  }
0x3b: {  	[tilespmem:s30], [sflag:$0x2] =	stream.linear.gather [hbm4b:s23+s4], $0x80, $0x38;
	[tilespmem:$0x1BB00] =	vst v63  }
0x3c: {  	_ =	swait.ge [sflag:s20], $0xC80  }
0x3d: {  	[sflag:s20] =	ssyncset.done $0x0  }
0x3e: {  	[sflag:s20] =	ssyncadd.s32 $0xFFFFF380  }
0x3f: {  	_ =	swait.ge [sflag:s20], $0xC80  }
0x40: {  	[sflag:s20] =	ssyncset.done $0x0  }
0x41: {  	s30 =	simm.s32 $0x1A040;
	[sflag:s20] =	ssyncadd.s32 $0xFFFFF380  }
0x42: {  	v7 =	vld [tilespmem:s30+$0x30]  }
0x43: {  	v8 =	vld [tilespmem:s30+$0x20]  }
0x44: {  	v9 =	vld [tilespmem:s30+$0x10]  }
0x45: {  	v4 =	vld [tilespmem:s30+$0x0]  }
0x46: {  	s31 =	simm.s32 $0x18740;
	v10 =	vld [tilespmem:s30+$0xFFFFFFC0]  }
0x47: {  	v11 =	vld [tilespmem:s31+$0x30]  }
0x48: {  	v12 =	vld [tilespmem:s30+$0xFFFFFFF0]  }
0x49: {  	v1 =	vld [tilespmem:s31+$0xFFFFFFC0]  }
0x4a: {  	v15 =	vld [tilespmem:s31+$0x20]  }
0x4b: {  	v13 =	vld [tilespmem:s31+$0xFFFFFFD0]  }
0x4c: {  	v16 =	vld [tilespmem:s30+$0xFFFFFFE0]  }
0x4d: {  	v14 =	vld [tilespmem:s31+$0x10];
	v0 =	vshrl.u32 v11, $0x10  }
0x4e: {  	v18 =	vld [tilespmem:s30+$0xFFFFFFD0];
	v17 =	vshrl.u32 v1, $0x10  }
0x4f: {  	v20 =	vld [tilespmem:s31+$0x0];
	v19 =	vand.u32 $0xFFFF, v1  }
0x50: {  	v21 =	vld [tilespmem:s31+$0xFFFFFFF0];
	v22 =	vshrl.u32 v13, $0x10  }
0x51: {  	v23 =	vld [tilespmem:s31+$0xFFFFFFE0];
	v13 =	vand.u32 $0xFFFF, v13  }
0x52: {  	v1 =	vld.idx.msk [tilespmem:v0+s4+$0x0], $0xffff  }
0x53: {  	v24 =	vld.idx.msk [tilespmem:v17+s19+$0x0], $0xffff  }
0x54: {  	v25 =	vld.idx.msk [tilespmem:v19+s19+$0x0], $0xffff  }
0x55: {  	v26 =	vand.u32 $0xFFFF, v20;
	v27 =	vld.idx.msk [tilespmem:v22+s4+$0x0], $0xffff  }
0x56: {  	v28 =	vand.u32 $0xFFFF, v21;
	v29 =	vld.idx.msk [tilespmem:v13+s4+$0x0], $0xffff  }
0x57: {  	v22 =	vld.idx.msk [tilespmem:v22+s19+$0x0], $0xffff  }
0x58: {  	v30 =	vand.u32 $0xFFFF, v23;
	v23 =	vshrl.u32 v23, $0x10;
	v13 =	vld.idx.msk [tilespmem:v13+s19+$0x0], $0xffff  }
0x59: {  	v19 =	vld.idx.msk [tilespmem:v19+s4+$0x0], $0xffff  }
0x5a: {  	v20 =	vshrl.u32 v20, $0x10;
	v31 =	vld.idx.msk [tilespmem:v26+s4+$0x0], $0xffff  }
0x5b: {  	v32 =	vld.idx.msk [tilespmem:v28+s19+$0x0], $0xffff  }
0x5c: {  	v4 =	vpack.i.f32.bf16 v4, v4;
	v17 =	vld.idx.msk [tilespmem:v17+s4+$0x0], $0xffff;
	v24 =	vmul.bf16 v24, v25  }
0x5d: {  	v33 =	vld.idx.msk [tilespmem:v23+s19+$0x0], $0xffff;
	v25 =	vpack.i.f32.bf16 v10, v10;
	v27 =	vmul.bf16 v27, v29;
	v13 =	vmul.bf16 v22, v13  }
0x5e: {  	v18 =	vpack.i.f32.bf16 v18, v18;
	v23 =	vld.idx.msk [tilespmem:v23+s4+$0x0], $0xffff;
	v10 =	vshrl.u32 v21, $0x10;
	v21 =	vmul.bf16 v24, v25  }
0x5f: {  	v34 =	vand.u32 $0xFFFF, v14;
	v37 =	vld.idx.msk [tilespmem:v20+s4+$0x0], $0xffff;
	v22 =	vmul.bf16 v18, v27;
	v18 =	vmul.bf16 v13, v18  }
0x60: {  	v36 =	vshrl.u32 v14, $0x10;
	v24 =	vld.idx.msk [tilespmem:v28+s4+$0x0], $0xffff;
	v28 =	vunpack.i.u.bf16.f32 v21;
	v21 =	vunpack.i.l.bf16.f32 v21  }
0x61: {  	v29 =	vld.idx.msk [tilespmem:v30+s19+$0x0], $0xffff;
	v13 =	vunpack.i.u.bf16.f32 v22;
	v14 =	vunpack.i.u.bf16.f32 v18;
	v18 =	vunpack.i.l.bf16.f32 v18  }
0x62: {  	v30 =	vld.idx.msk [tilespmem:v30+s4+$0x0], $0xffff;
	v21 =	vadd.f32 v21, v6;
	v28 =	vadd.f32 v28, v2;
	v2 =	vpack.i.f32.bf16 v7, v7  }
0x63: {  	v6 =	vpack.i.f32.bf16 v8, v8;
	v27 =	vld.idx.msk [tilespmem:v10+s19+$0x0], $0xffff;
	v8 =	vand.u32 $0xFFFF, v11;
	v11 =	vmul.bf16 v17, v19  }
0x64: {  	v7 =	vpack.i.f32.bf16 v9, v9;
	v35 =	vld.idx.msk [tilespmem:v10+s4+$0x0], $0xffff;
	v17 =	vunpack.i.l.bf16.f32 v22;
	v10 =	vpack.i.f32.bf16 v12, v12  }
0x65: {  	v20 =	vld.idx.msk [tilespmem:v20+s19+$0x0], $0xffff;
	v9 =	vshrl.u32 v15, $0x10;
	v19 =	vpack.i.f32.bf16 v16, v16;
	v11 =	vmul.bf16 v25, v11  }
0x66: {  	v16 =	vmul.bf16 v33, v29;
	v12 =	vld.idx.msk [tilespmem:v34+s4+$0x0], $0xffff;
	v15 =	vand.u32 $0xFFFF, v15;
	v28 =	vadd.f32 v14, v28  }
0x67: {  	v14 =	vld.idx.msk [tilespmem:v26+s19+$0x0], $0xffff;
	v22 =	vadd.f32 v18, v21;
	v25 =	vunpack.i.u.bf16.f32 v11;
	v11 =	vunpack.i.l.bf16.f32 v11  }
0x68: {  	v26 =	vmul.bf16 v23, v30;
	v5 =	vadd.f32 v11, v5;
	v11 =	vmul.bf16 v16, v19;
	v16 =	vld.idx.msk [tilespmem:v36+s4+$0x0], $0xffff  }
0x69: {  	v18 =	vmul.bf16 v27, v32;
	v25 =	vadd.f32 v25, v3;
	v23 =	vmul.bf16 v35, v24;
	v3 =	vld.idx.msk [tilespmem:v34+s19+$0x0], $0xffff  }
0x6a: {  	v24 =	vmul.bf16 v37, v31;
	v21 =	vadd.f32 v17, v5;
	v17 =	vunpack.i.u.bf16.f32 v11;
	v5 =	vld.idx.msk [tilespmem:v36+s19+$0x0], $0xffff  }
0x6b: {  	s2 =	simm.s32 $0x0;
	v27 =	vunpack.i.l.bf16.f32 v11;
	v23 =	vmul.bf16 v10, v23;
	v11 =	vadd.f32 v17, v28;
	v17 =	vld.idx.msk [tilespmem:v15+s4+$0x0], $0xffff  }
.LBB2_11:
0x6c: {  	s2 =	sadd.s32 $0x80, s2;
	v13 =	vadd.f32 v13, v25;
	v19 =	vmul.bf16 v19, v26;
	v22 =	vadd.f32 v27, v22;
	v25 =	vld.idx.msk [tilespmem:v9+s4+$0x0], $0xffff;
	s31 =	sadd.s32 $0x100, s31;
	s30 =	sadd.s32 $0x100, s30  }
0x6d: {  	v14 =	vmul.bf16 v20, v14;
	v20 =	vmul.bf16 v4, v24;
	p0 =	slt.u32 s2, $0xC00;
	v26 =	vunpack.i.u.bf16.f32 v23;
	v15 =	vld.idx.msk [tilespmem:v15+s19+$0x0], $0xffff  }
0x6e: {  	v10 =	vmul.bf16 v18, v10;
	v24 =	vunpack.i.u.bf16.f32 v19;
	v19 =	vunpack.i.l.bf16.f32 v19;
	v9 =	vld.idx.msk [tilespmem:v9+s19+$0x0], $0xffff  }
0x6f: {  	v12 =	vmul.bf16 v16, v12;
	v18 =	vadd.f32 v19, v21;
	v19 =	vunpack.i.l.bf16.f32 v20;
	v16 =	vld.idx.msk [tilespmem:v8+s4+$0x0], $0xffff  }
0x70: {  	v4 =	vmul.bf16 v14, v4;
	v13 =	vadd.f32 v24, v13;
	v21 =	vunpack.i.l.bf16.f32 v23;
	v8 =	vld.idx.msk [tilespmem:v8+s19+$0x0], $0xffff  }
0x71: {  	v12 =	vmul.bf16 v7, v12;
	v14 =	vadd.f32 v21, v18;
	v18 =	vunpack.i.u.bf16.f32 v20;
	v0 =	vld.idx.msk [tilespmem:v0+s19+$0x0], $0xffff  }
0x72: {  	v21 =	vunpack.i.u.bf16.f32 v4;
	v4 =	vunpack.i.l.bf16.f32 v4;
	v17 =	vmul.bf16 v25, v17;
	v20 =	vld [tilespmem:s30+$0x30]  }
0x73: {  	v24 =	vunpack.i.u.bf16.f32 v10;
	v10 =	vunpack.i.l.bf16.f32 v10;
	v23 =	vld [tilespmem:s30+$0x20];
	v14 =	vadd.f32 v19, v14  }
0x74: {  	v10 =	vadd.f32 v10, v22;
	v13 =	vadd.f32 v26, v13;
	v22 =	vunpack.i.l.bf16.f32 v12;
	v19 =	vld [tilespmem:s30+$0x10]  }
0x75: {  	v11 =	vadd.f32 v24, v11;
	v1 =	vmul.bf16 v1, v16;
	v25 =	vld [tilespmem:s30+$0x0];
	v14 =	vadd.f32 v22, v14  }
0x76: {  	v10 =	vadd.f32 v4, v10;
	v13 =	vadd.f32 v18, v13;
	v4 =	vmul.bf16 v6, v17;
	v16 =	vld [tilespmem:s30+$0xFFFFFFC0]  }
0x77: {  	v9 =	vmul.bf16 v9, v15;
	v1 =	vmul.bf16 v2, v1;
	v17 =	vld [tilespmem:s31+$0x30]  }
0x78: {  	v3 =	vmul.bf16 v5, v3;
	v5 =	vunpack.i.u.bf16.f32 v12;
	v12 =	vunpack.i.l.bf16.f32 v4;
	v15 =	vld [tilespmem:s30+$0xFFFFFFF0]  }
0x79: {  	v11 =	vadd.f32 v21, v11;
	v5 =	vadd.f32 v5, v13;
	v13 =	vunpack.i.l.bf16.f32 v1;
	v18 =	vld [tilespmem:s31+$0xFFFFFFC0]  }
0x7a: {  	v4 =	vunpack.i.u.bf16.f32 v4;
	v6 =	vmul.bf16 v9, v6;
	v1 =	vunpack.i.u.bf16.f32 v1;
	v21 =	vld [tilespmem:s31+$0x20]  }
0x7b: {  	v3 =	vmul.bf16 v3, v7;
	v7 =	vmul.bf16 v0, v8;
	v5 =	vadd.f32 v4, v5;
	v22 =	vld [tilespmem:s30+$0xFFFFFFE0]  }
0x7c: {  	v4 =	vpack.i.f32.bf16 v25, v25;
	v8 =	vld [tilespmem:s31+$0xFFFFFFD0];
	v0 =	vshrl.u32 v17, $0x10  }
0x7d: {  	v24 =	vunpack.i.u.bf16.f32 v6;
	v6 =	vunpack.i.l.bf16.f32 v6;
	v2 =	vmul.bf16 v7, v2;
	v9 =	vld [tilespmem:s31+$0x10]  }
0x7e: {  	v26 =	vunpack.i.l.bf16.f32 v3;
	v7 =	vshrl.u32 v18, $0x10;
	v18 =	vand.u32 $0xFFFF, v18;
	v25 =	vld [tilespmem:s30+$0xFFFFFFD0]  }
0x7f: {  	v3 =	vunpack.i.u.bf16.f32 v3;
	v12 =	vadd.f32 v12, v14;
	v5 =	vadd.f32 v1, v5;
	v27 =	vld [tilespmem:s31+$0x0]  }
0x80: {  	v10 =	vadd.f32 v26, v10;
	v3 =	vadd.f32 v3, v11;
	v14 =	vld [tilespmem:s31+$0xFFFFFFF0]  }
0x81: {  	v26 =	vunpack.i.u.bf16.f32 v2;
	v11 =	vshrl.u32 v8, $0x10;
	v8 =	vand.u32 $0xFFFF, v8;
	v1 =	vld.idx.msk [tilespmem:v0+s4+$0x0], $0xffff  }
0x82: {  	v6 =	vadd.f32 v6, v10;
	v29 =	vadd.f32 v13, v12;
	v2 =	vunpack.i.l.bf16.f32 v2;
	v28 =	vld [tilespmem:s31+$0xFFFFFFE0]  }
0x83: {  	v3 =	vadd.f32 v24, v3;
	v10 =	vld.idx.msk [tilespmem:v7+s19+$0x0], $0xffff  }
0x84: {  	v2 =	vadd.f32 v2, v6;
	v12 =	vld.idx.msk [tilespmem:v18+s19+$0x0], $0xffff;
	v24 =	vshrl.u32 v27, $0x10;
	v27 =	vand.u32 $0xFFFF, v27  }
0x85: {  	v3 =	vadd.f32 v26, v3;
	v13 =	vld.idx.msk [tilespmem:v18+s4+$0x0], $0xffff  }
0x86: {  	v18 =	vand.u32 $0xFFFF, v14;
	v6 =	vld.idx.msk [tilespmem:v11+s4+$0x0], $0xffff  }
0x87: {  	v26 =	vld.idx.msk [tilespmem:v8+s4+$0x0], $0xffff;
	v30 =	vshrl.u32 v28, $0x10;
	v28 =	vand.u32 $0xFFFF, v28  }
0x88: {  	v11 =	vld.idx.msk [tilespmem:v11+s19+$0x0], $0xffff  }
0x89: {  	v31 =	vld.idx.msk [tilespmem:v27+s4+$0x0], $0xffff  }
0x8a: {  	v10 =	vmul.bf16 v10, v12;
	v8 =	vld.idx.msk [tilespmem:v8+s19+$0x0], $0xffff  }
0x8b: {  	v14 =	vshrl.u32 v14, $0x10;
	v12 =	vpack.i.f32.bf16 v16, v16;
	v16 =	vld.idx.msk [tilespmem:v18+s19+$0x0], $0xffff  }
0x8c: {  	v10 =	vmul.bf16 v10, v12;
	v32 =	vld.idx.msk [tilespmem:v18+s4+$0x0], $0xffff  }
0x8d: {  	v18 =	vld.idx.msk [tilespmem:v7+s4+$0x0], $0xffff  }
0x8e: {  	v26 =	vmul.bf16 v6, v26;
	v7 =	vunpack.i.u.bf16.f32 v10;
	v10 =	vunpack.i.l.bf16.f32 v10;
	v33 =	vld.idx.msk [tilespmem:v28+s19+$0x0], $0xffff  }
0x8f: {  	v34 =	vadd.f32 v10, v2;
	v3 =	vadd.f32 v7, v3;
	v2 =	vpack.i.f32.bf16 v20, v20;
	v35 =	vld.idx.msk [tilespmem:v30+s19+$0x0], $0xffff  }
0x90: {  	v6 =	vpack.i.f32.bf16 v23, v23;
	v10 =	vpack.i.f32.bf16 v25, v25;
	v8 =	vmul.bf16 v11, v8;
	v11 =	vld.idx.msk [tilespmem:v30+s4+$0x0], $0xffff  }
0x91: {  	v7 =	vpack.i.f32.bf16 v19, v19;
	v20 =	vmul.bf16 v10, v26;
	v30 =	vand.u32 $0xFFFF, v9;
	v23 =	vld.idx.msk [tilespmem:v14+s19+$0x0], $0xffff  }
0x92: {  	v37 =	vshrl.u32 v9, $0x10;
	v19 =	vmul.bf16 v8, v10;
	v8 =	vand.u32 $0xFFFF, v17;
	v36 =	vld.idx.msk [tilespmem:v14+s4+$0x0], $0xffff  }
0x93: {  	v17 =	vunpack.i.l.bf16.f32 v20;
	v14 =	vmul.bf16 v18, v13;
	v13 =	vunpack.i.u.bf16.f32 v20;
	v26 =	vld.idx.msk [tilespmem:v28+s4+$0x0], $0xffff  }
0x94: {  	v9 =	vshrl.u32 v21, $0x10;
	v10 =	vpack.i.f32.bf16 v15, v15;
	v18 =	vunpack.i.u.bf16.f32 v19;
	v28 =	vld.idx.msk [tilespmem:v24+s4+$0x0], $0xffff  }
0x95: {  	v25 =	vunpack.i.l.bf16.f32 v19;
	v20 =	vmul.bf16 v12, v14;
	v38 =	vadd.f32 v18, v3;
	v14 =	vld.idx.msk [tilespmem:v27+s19+$0x0], $0xffff  }
0x96: {  	v15 =	vand.u32 $0xFFFF, v21;
	v19 =	vpack.i.f32.bf16 v22, v22;
	v3 =	vmul.bf16 v35, v33;
	v12 =	vld.idx.msk [tilespmem:v30+s4+$0x0], $0xffff  }
.Ltmp4:
0x97: {  	v22 =	vadd.f32 v25, v34;
	v21 =	vunpack.i.u.bf16.f32 v20;
	v18 =	vunpack.i.l.bf16.f32 v20;
	v20 =	vld.idx.msk [tilespmem:v24+s19+$0x0], $0xffff;
	(pc) =	sbr.rel @p0 .LBB2_11-.Ltmp4, $4  }
0x98: {  	v27 =	vmul.bf16 v3, v19;
	v24 =	vadd.f32 v18, v29;
	v18 =	vmul.bf16 v23, v16;
	v16 =	vld.idx.msk [tilespmem:v37+s4+$0x0], $0xffff  }
0x99: {  	v25 =	vadd.f32 v21, v5;
	v23 =	vmul.bf16 v36, v32;
	v26 =	vmul.bf16 v11, v26;
	v3 =	vld.idx.msk [tilespmem:v30+s19+$0x0], $0xffff  }
0x9a: {  	v11 =	vunpack.i.u.bf16.f32 v27;
	v21 =	vadd.f32 v17, v24;
	v24 =	vmul.bf16 v28, v31;
	v5 =	vld.idx.msk [tilespmem:v37+s19+$0x0], $0xffff  }
0x9b: {  	v27 =	vunpack.i.l.bf16.f32 v27;
	v11 =	vadd.f32 v11, v38;
	v23 =	vmul.bf16 v10, v23;
	v17 =	vld.idx.msk [tilespmem:v15+s4+$0x0], $0xffff  }
0x9c: {  	_ =	sdelay $0x1  }
0x9d: {  	v19 =	vmul.bf16 v19, v26  }
0x9e: {  	v13 =	vadd.f32 v13, v25;
	v22 =	vadd.f32 v27, v22;
	v14 =	vmul.bf16 v20, v14  }
0x9f: {  	v52 =	vld.idx.msk [tilespmem:v9+s4+$0x0], $0xffff;
	v53 =	vmul.bf16 v4, v24;
	v10 =	vmul.bf16 v18, v10;
	v51 =	vunpack.i.u.bf16.f32 v23  }
0xa0: {  	v15 =	vld.idx.msk [tilespmem:v15+s19+$0x0], $0xffff;
	v12 =	vmul.bf16 v16, v12;
	v56 =	vunpack.i.l.bf16.f32 v23;
	v54 =	vunpack.i.l.bf16.f32 v19  }
0xa1: {  	v58 =	vld.idx.msk [tilespmem:v8+s4+$0x0], $0xffff;
	v19 =	vunpack.i.u.bf16.f32 v19;
	v4 =	vmul.bf16 v14, v4;
	v57 =	vunpack.i.l.bf16.f32 v53  }
0xa2: {  	v9 =	vld.idx.msk [tilespmem:v9+s19+$0x0], $0xffff;
	v59 =	vunpack.i.u.bf16.f32 v53;
	v61 =	vunpack.i.u.bf16.f32 v10;
	v10 =	vunpack.i.l.bf16.f32 v10  }
0xa3: {  	v8 =	vld.idx.msk [tilespmem:v8+s19+$0x0], $0xffff;
	v55 =	vadd.f32 v54, v21;
	v13 =	vadd.f32 v19, v13;
	v12 =	vmul.bf16 v7, v12  }
0xa4: {  	v0 =	vld.idx.msk [tilespmem:v0+s19+$0x0], $0xffff;
	v10 =	vadd.f32 v10, v22;
	v11 =	vadd.f32 v61, v11;
	v3 =	vmul.bf16 v5, v3  }
0xa5: {  	v60 =	vunpack.i.u.bf16.f32 v4;
	v4 =	vunpack.i.l.bf16.f32 v4;
	v16 =	vadd.f32 v56, v55  }
0xa6: {  	v17 =	vmul.bf16 v52, v17;
	v13 =	vadd.f32 v51, v13;
	v62 =	vunpack.i.l.bf16.f32 v12  }
0xa7: {  	v1 =	vmul.bf16 v1, v58;
	v4 =	vadd.f32 v4, v10;
	v9 =	vmul.bf16 v9, v15  }
0xa8: {  	v5 =	vunpack.i.u.bf16.f32 v12;
	v11 =	vadd.f32 v60, v11;
	v3 =	vmul.bf16 v3, v7  }
0xa9: {  	v0 =	vmul.bf16 v0, v8;
	v14 =	vadd.f32 v57, v16;
	v13 =	vadd.f32 v59, v13  }
0xaa: {  	v10 =	vmul.bf16 v6, v17;
	v6 =	vmul.bf16 v9, v6;
	v9 =	vunpack.i.l.bf16.f32 v3  }
0xab: {  	v1 =	vmul.bf16 v2, v1;
	v3 =	vunpack.i.u.bf16.f32 v3;
	v4 =	vadd.f32 v9, v4  }
0xac: {  	v0 =	vmul.bf16 v0, v2;
	v3 =	vadd.f32 v3, v11;
	v5 =	vadd.f32 v5, v13  }
0xad: {  	v14 =	vadd.f32 v62, v14;
	v63 =	vunpack.i.l.bf16.f32 v10;
	v10 =	vunpack.i.u.bf16.f32 v10  }
0xae: {  	v7 =	vunpack.i.u.bf16.f32 v1;
	v8 =	vunpack.i.u.bf16.f32 v6;
	v5 =	vadd.f32 v10, v5  }
0xaf: {  	s0 =	sadd.s32 s29, s10;
	v3 =	vadd.f32 v8, v3;
	v10 =	vunpack.i.l.bf16.f32 v6;
	v2 =	vadd.f32 v63, v14  }
0xb0: {  	s2 =	sshrl.u32 s0, $0x3;
	v1 =	vunpack.i.l.bf16.f32 v1;
	v4 =	vadd.f32 v10, v4;
	v6 =	vadd.f32 v7, v5  }
0xb1: {  	s30 =	simm.s32 $0x18700;
	s29 =	sadd.s32 s3, s2;
	v5 =	vunpack.i.u.bf16.f32 v0;
	v0 =	vunpack.i.l.bf16.f32 v0;
	v8 =	vadd.f32 v1, v2  }
0xb2: {  	s22 =	simm.s32 $0x18800;
	s0 =	simm.s32 $0x10;
	s23 =	sadd.s32 $0x0, s29;
	v2 =	vadd.f32 v0, v4;
	v4 =	vadd.f32 v5, v3  }
.LBB2_13:
0xb3: {  	[tilespmem:s30], [sflag:$0x1] =	stream.linear.gather [hbm4b:s23+s4], $0x80, $0x38;
	[tilespmem:$0x1BB00] =	vst v63  }
0xb4: {  	s23 =	smov.u32 s0;
	s30 =	smov.u32 s22;
	p0 =	sne.s32 s0, $0x180  }
.Ltmp5:
0xb5: {  	s0 =	sadd.s32 $0x10, s0;
	(pc) =	sbr.rel @p0 .LBB2_13-.Ltmp5, $2  }
0xb6: {  	_ =	sdelay $0x2  }
0xb7: {  	s22 =	sadd.s32 $0x100, s22;
	s23 =	sadd.s32 s23, s29  }
0xb8: {  	[tilespmem:s30], [sflag:$0x1] =	stream.linear.gather [hbm4b:s23+s4], $0x80, $0x38;
	[tilespmem:$0x1BB00] =	vst v63  }
0xb9: {  	s2 =	sadd.s32 s1, s2;
	s29 =	simm.s32 $0x1A000  }
0xba: {  	s0 =	simm.s32 $0x10;
	s22 =	simm.s32 $0x1A100;
	s23 =	sadd.s32 $0x0, s2  }
.LBB2_15:
0xbb: {  	[tilespmem:s29], [sflag:$0x1] =	stream.linear.gather [hbm4b:s23+s4], $0x80, $0x38;
	[tilespmem:$0x1BB00] =	vst v63  }
0xbc: {  	s23 =	smov.u32 s0;
	s29 =	smov.u32 s22;
	p0 =	sne.s32 s0, $0x180  }
.Ltmp6:
0xbd: {  	s0 =	sadd.s32 $0x10, s0;
	(pc) =	sbr.rel @p0 .LBB2_15-.Ltmp6, $2  }
0xbe: {  	_ =	sdelay $0x2  }
0xbf: {  	s22 =	sadd.s32 $0x100, s22;
	s23 =	sadd.s32 s23, s2  }
0xc0: {  	[tilespmem:s29], [sflag:$0x1] =	stream.linear.gather [hbm4b:s23+s4], $0x80, $0x38;
	[tilespmem:$0x1BB00] =	vst v63  }
0xc1: {  	_ =	swait.ge [sflag:s21], $0xC80  }
0xc2: {  	[sflag:s21] =	ssyncset.done $0x0  }
0xc3: {  	[sflag:s21] =	ssyncadd.s32 $0xFFFFF380  }
0xc4: {  	_ =	swait.ge [sflag:s21], $0xC80  }
0xc5: {  	[sflag:s21] =	ssyncset.done $0x0  }
0xc6: {  	s29 =	simm.s32 $0x1A0F0;
	[sflag:s21] =	ssyncadd.s32 $0xFFFFF380  }
0xc7: {  	v5 =	vld [tilespmem:s29+$0x0]  }
0xc8: {  	v7 =	vld [tilespmem:s29+$0xFFFFFFF0]  }
0xc9: {  	v9 =	vld [tilespmem:s29+$0xFFFFFFE0]  }
0xca: {  	v3 =	vld [tilespmem:s29+$0xFFFFFFD0]  }
0xcb: {  	s30 =	simm.s32 $0x187F0;
	v10 =	vld [tilespmem:s29+$0xFFFFFF90]  }
0xcc: {  	v11 =	vld [tilespmem:s30+$0x0]  }
0xcd: {  	v12 =	vld [tilespmem:s29+$0xFFFFFFC0]  }
0xce: {  	v1 =	vld [tilespmem:s30+$0xFFFFFF90]  }
0xcf: {  	v15 =	vld [tilespmem:s30+$0xFFFFFFF0]  }
0xd0: {  	v13 =	vld [tilespmem:s30+$0xFFFFFFA0]  }
0xd1: {  	v16 =	vld [tilespmem:s29+$0xFFFFFFB0]  }
0xd2: {  	v14 =	vld [tilespmem:s30+$0xFFFFFFE0];
	v0 =	vshrl.u32 v11, $0x10  }
0xd3: {  	v18 =	vld [tilespmem:s29+$0xFFFFFFA0];
	v17 =	vshrl.u32 v1, $0x10  }
0xd4: {  	v20 =	vld [tilespmem:s30+$0xFFFFFFD0];
	v19 =	vand.u32 $0xFFFF, v1  }
0xd5: {  	v21 =	vld [tilespmem:s30+$0xFFFFFFC0];
	v22 =	vshrl.u32 v13, $0x10  }
0xd6: {  	v23 =	vld [tilespmem:s30+$0xFFFFFFB0];
	v13 =	vand.u32 $0xFFFF, v13  }
0xd7: {  	v1 =	vld.idx.msk [tilespmem:v0+s4+$0x0], $0xffff  }
0xd8: {  	v24 =	vld.idx.msk [tilespmem:v17+s19+$0x0], $0xffff  }
0xd9: {  	v25 =	vld.idx.msk [tilespmem:v19+s19+$0x0], $0xffff  }
0xda: {  	v26 =	vand.u32 $0xFFFF, v20;
	v27 =	vld.idx.msk [tilespmem:v22+s4+$0x0], $0xffff  }
0xdb: {  	v28 =	vand.u32 $0xFFFF, v21;
	v29 =	vld.idx.msk [tilespmem:v13+s4+$0x0], $0xffff  }
0xdc: {  	v22 =	vld.idx.msk [tilespmem:v22+s19+$0x0], $0xffff  }
0xdd: {  	v30 =	vand.u32 $0xFFFF, v23;
	v23 =	vshrl.u32 v23, $0x10;
	v13 =	vld.idx.msk [tilespmem:v13+s19+$0x0], $0xffff  }
0xde: {  	v19 =	vld.idx.msk [tilespmem:v19+s4+$0x0], $0xffff  }
0xdf: {  	v20 =	vshrl.u32 v20, $0x10;
	v31 =	vld.idx.msk [tilespmem:v26+s4+$0x0], $0xffff  }
0xe0: {  	v32 =	vld.idx.msk [tilespmem:v28+s19+$0x0], $0xffff  }
0xe1: {  	v3 =	vpack.i.f32.bf16 v3, v3;
	v17 =	vld.idx.msk [tilespmem:v17+s4+$0x0], $0xffff;
	v24 =	vmul.bf16 v24, v25  }
0xe2: {  	v33 =	vld.idx.msk [tilespmem:v23+s19+$0x0], $0xffff;
	v25 =	vpack.i.f32.bf16 v10, v10;
	v27 =	vmul.bf16 v27, v29;
	v13 =	vmul.bf16 v22, v13  }
0xe3: {  	v18 =	vpack.i.f32.bf16 v18, v18;
	v23 =	vld.idx.msk [tilespmem:v23+s4+$0x0], $0xffff;
	v10 =	vshrl.u32 v21, $0x10;
	v21 =	vmul.bf16 v24, v25  }
0xe4: {  	v34 =	vand.u32 $0xFFFF, v14;
	v37 =	vld.idx.msk [tilespmem:v20+s4+$0x0], $0xffff;
	v22 =	vmul.bf16 v18, v27;
	v18 =	vmul.bf16 v13, v18  }
0xe5: {  	v36 =	vshrl.u32 v14, $0x10;
	v24 =	vld.idx.msk [tilespmem:v28+s4+$0x0], $0xffff;
	v28 =	vunpack.i.u.bf16.f32 v21;
	v21 =	vunpack.i.l.bf16.f32 v21  }
0xe6: {  	v29 =	vld.idx.msk [tilespmem:v30+s19+$0x0], $0xffff;
	v13 =	vunpack.i.u.bf16.f32 v22;
	v14 =	vunpack.i.u.bf16.f32 v18;
	v18 =	vunpack.i.l.bf16.f32 v18  }
0xe7: {  	v30 =	vld.idx.msk [tilespmem:v30+s4+$0x0], $0xffff;
	v21 =	vadd.f32 v21, v2;
	v28 =	vadd.f32 v28, v4;
	v2 =	vpack.i.f32.bf16 v5, v5  }
0xe8: {  	v4 =	vpack.i.f32.bf16 v7, v7;
	v27 =	vld.idx.msk [tilespmem:v10+s19+$0x0], $0xffff;
	v7 =	vand.u32 $0xFFFF, v11;
	v11 =	vmul.bf16 v17, v19  }
0xe9: {  	v5 =	vpack.i.f32.bf16 v9, v9;
	v35 =	vld.idx.msk [tilespmem:v10+s4+$0x0], $0xffff;
	v17 =	vunpack.i.l.bf16.f32 v22;
	v10 =	vpack.i.f32.bf16 v12, v12  }
0xea: {  	v20 =	vld.idx.msk [tilespmem:v20+s19+$0x0], $0xffff;
	v9 =	vshrl.u32 v15, $0x10;
	v19 =	vpack.i.f32.bf16 v16, v16;
	v11 =	vmul.bf16 v25, v11  }
0xeb: {  	v16 =	vmul.bf16 v33, v29;
	v12 =	vld.idx.msk [tilespmem:v34+s4+$0x0], $0xffff;
	v15 =	vand.u32 $0xFFFF, v15;
	v28 =	vadd.f32 v14, v28  }
0xec: {  	v14 =	vld.idx.msk [tilespmem:v26+s19+$0x0], $0xffff;
	v22 =	vadd.f32 v18, v21;
	v25 =	vunpack.i.u.bf16.f32 v11;
	v11 =	vunpack.i.l.bf16.f32 v11  }
0xed: {  	v26 =	vmul.bf16 v23, v30;
	v8 =	vadd.f32 v11, v8;
	v11 =	vmul.bf16 v16, v19;
	v16 =	vld.idx.msk [tilespmem:v36+s4+$0x0], $0xffff  }
0xee: {  	v18 =	vmul.bf16 v27, v32;
	v25 =	vadd.f32 v25, v6;
	v23 =	vmul.bf16 v35, v24;
	v6 =	vld.idx.msk [tilespmem:v34+s19+$0x0], $0xffff  }
0xef: {  	v24 =	vmul.bf16 v37, v31;
	v21 =	vadd.f32 v17, v8;
	v17 =	vunpack.i.u.bf16.f32 v11;
	v8 =	vld.idx.msk [tilespmem:v36+s19+$0x0], $0xffff  }
0xf0: {  	s2 =	simm.s32 $0x0;
	v27 =	vunpack.i.l.bf16.f32 v11;
	v23 =	vmul.bf16 v10, v23;
	v11 =	vadd.f32 v17, v28;
	v17 =	vld.idx.msk [tilespmem:v15+s4+$0x0], $0xffff  }
.LBB2_17:
0xf1: {  	s2 =	sadd.s32 $0x80, s2;
	v13 =	vadd.f32 v13, v25;
	v19 =	vmul.bf16 v19, v26;
	v22 =	vadd.f32 v27, v22;
	v25 =	vld.idx.msk [tilespmem:v9+s4+$0x0], $0xffff;
	s29 =	sadd.s32 $0x100, s29;
	s30 =	sadd.s32 $0x100, s30  }
0xf2: {  	v14 =	vmul.bf16 v20, v14;
	v20 =	vmul.bf16 v3, v24;
	p0 =	slt.u32 s2, $0xC00;
	v26 =	vunpack.i.u.bf16.f32 v23;
	v15 =	vld.idx.msk [tilespmem:v15+s19+$0x0], $0xffff  }
0xf3: {  	v10 =	vmul.bf16 v18, v10;
	v24 =	vunpack.i.u.bf16.f32 v19;
	v19 =	vunpack.i.l.bf16.f32 v19;
	v9 =	vld.idx.msk [tilespmem:v9+s19+$0x0], $0xffff  }
0xf4: {  	v12 =	vmul.bf16 v16, v12;
	v18 =	vadd.f32 v19, v21;
	v19 =	vunpack.i.l.bf16.f32 v20;
	v16 =	vld.idx.msk [tilespmem:v7+s4+$0x0], $0xffff  }
0xf5: {  	v3 =	vmul.bf16 v14, v3;
	v13 =	vadd.f32 v24, v13;
	v21 =	vunpack.i.l.bf16.f32 v23;
	v7 =	vld.idx.msk [tilespmem:v7+s19+$0x0], $0xffff  }
0xf6: {  	v12 =	vmul.bf16 v5, v12;
	v14 =	vadd.f32 v21, v18;
	v18 =	vunpack.i.u.bf16.f32 v20;
	v0 =	vld.idx.msk [tilespmem:v0+s19+$0x0], $0xffff  }
0xf7: {  	v21 =	vunpack.i.u.bf16.f32 v3;
	v3 =	vunpack.i.l.bf16.f32 v3;
	v17 =	vmul.bf16 v25, v17;
	v20 =	vld [tilespmem:s29+$0x0]  }
0xf8: {  	v24 =	vunpack.i.u.bf16.f32 v10;
	v10 =	vunpack.i.l.bf16.f32 v10;
	v23 =	vld [tilespmem:s29+$0xFFFFFFF0];
	v14 =	vadd.f32 v19, v14  }
0xf9: {  	v10 =	vadd.f32 v10, v22;
	v13 =	vadd.f32 v26, v13;
	v22 =	vunpack.i.l.bf16.f32 v12;
	v19 =	vld [tilespmem:s29+$0xFFFFFFE0]  }
0xfa: {  	v11 =	vadd.f32 v24, v11;
	v1 =	vmul.bf16 v1, v16;
	v25 =	vld [tilespmem:s29+$0xFFFFFFD0];
	v14 =	vadd.f32 v22, v14  }
0xfb: {  	v10 =	vadd.f32 v3, v10;
	v13 =	vadd.f32 v18, v13;
	v3 =	vmul.bf16 v4, v17;
	v16 =	vld [tilespmem:s29+$0xFFFFFF90]  }
0xfc: {  	v9 =	vmul.bf16 v9, v15;
	v1 =	vmul.bf16 v2, v1;
	v17 =	vld [tilespmem:s30+$0x0]  }
0xfd: {  	v6 =	vmul.bf16 v8, v6;
	v8 =	vunpack.i.u.bf16.f32 v12;
	v12 =	vunpack.i.l.bf16.f32 v3;
	v15 =	vld [tilespmem:s29+$0xFFFFFFC0]  }
0xfe: {  	v11 =	vadd.f32 v21, v11;
	v8 =	vadd.f32 v8, v13;
	v13 =	vunpack.i.l.bf16.f32 v1;
	v18 =	vld [tilespmem:s30+$0xFFFFFF90]  }
0xff: {  	v3 =	vunpack.i.u.bf16.f32 v3;
	v4 =	vmul.bf16 v9, v4;
	v1 =	vunpack.i.u.bf16.f32 v1;
	v21 =	vld [tilespmem:s30+$0xFFFFFFF0]  }
0x100: {  	v5 =	vmul.bf16 v6, v5;
	v7 =	vmul.bf16 v0, v7;
	v6 =	vadd.f32 v3, v8;
	v22 =	vld [tilespmem:s29+$0xFFFFFFB0]  }
0x101: {  	v3 =	vpack.i.f32.bf16 v25, v25;
	v8 =	vld [tilespmem:s30+$0xFFFFFFA0];
	v0 =	vshrl.u32 v17, $0x10  }
0x102: {  	v24 =	vunpack.i.u.bf16.f32 v4;
	v4 =	vunpack.i.l.bf16.f32 v4;
	v2 =	vmul.bf16 v7, v2;
	v9 =	vld [tilespmem:s30+$0xFFFFFFE0]  }
0x103: {  	v26 =	vunpack.i.l.bf16.f32 v5;
	v7 =	vshrl.u32 v18, $0x10;
	v18 =	vand.u32 $0xFFFF, v18;
	v25 =	vld [tilespmem:s29+$0xFFFFFFA0]  }
0x104: {  	v5 =	vunpack.i.u.bf16.f32 v5;
	v12 =	vadd.f32 v12, v14;
	v6 =	vadd.f32 v1, v6;
	v27 =	vld [tilespmem:s30+$0xFFFFFFD0]  }
0x105: {  	v10 =	vadd.f32 v26, v10;
	v5 =	vadd.f32 v5, v11;
	v14 =	vld [tilespmem:s30+$0xFFFFFFC0]  }
0x106: {  	v26 =	vunpack.i.u.bf16.f32 v2;
	v11 =	vshrl.u32 v8, $0x10;
	v8 =	vand.u32 $0xFFFF, v8;
	v1 =	vld.idx.msk [tilespmem:v0+s4+$0x0], $0xffff  }
0x107: {  	v4 =	vadd.f32 v4, v10;
	v29 =	vadd.f32 v13, v12;
	v2 =	vunpack.i.l.bf16.f32 v2;
	v28 =	vld [tilespmem:s30+$0xFFFFFFB0]  }
0x108: {  	v5 =	vadd.f32 v24, v5;
	v10 =	vld.idx.msk [tilespmem:v7+s19+$0x0], $0xffff  }
0x109: {  	v2 =	vadd.f32 v2, v4;
	v12 =	vld.idx.msk [tilespmem:v18+s19+$0x0], $0xffff;
	v24 =	vshrl.u32 v27, $0x10;
	v27 =	vand.u32 $0xFFFF, v27  }
0x10a: {  	v4 =	vadd.f32 v26, v5;
	v13 =	vld.idx.msk [tilespmem:v18+s4+$0x0], $0xffff  }
0x10b: {  	v18 =	vand.u32 $0xFFFF, v14;
	v5 =	vld.idx.msk [tilespmem:v11+s4+$0x0], $0xffff  }
0x10c: {  	v26 =	vld.idx.msk [tilespmem:v8+s4+$0x0], $0xffff;
	v30 =	vshrl.u32 v28, $0x10;
	v28 =	vand.u32 $0xFFFF, v28  }
0x10d: {  	v11 =	vld.idx.msk [tilespmem:v11+s19+$0x0], $0xffff  }
0x10e: {  	v31 =	vld.idx.msk [tilespmem:v27+s4+$0x0], $0xffff  }
0x10f: {  	v10 =	vmul.bf16 v10, v12;
	v8 =	vld.idx.msk [tilespmem:v8+s19+$0x0], $0xffff  }
0x110: {  	v14 =	vshrl.u32 v14, $0x10;
	v12 =	vpack.i.f32.bf16 v16, v16;
	v16 =	vld.idx.msk [tilespmem:v18+s19+$0x0], $0xffff  }
0x111: {  	v10 =	vmul.bf16 v10, v12;
	v32 =	vld.idx.msk [tilespmem:v18+s4+$0x0], $0xffff  }
0x112: {  	v18 =	vld.idx.msk [tilespmem:v7+s4+$0x0], $0xffff  }
0x113: {  	v5 =	vmul.bf16 v5, v26;
	v7 =	vunpack.i.u.bf16.f32 v10;
	v10 =	vunpack.i.l.bf16.f32 v10;
	v26 =	vld.idx.msk [tilespmem:v28+s19+$0x0], $0xffff  }
0x114: {  	v33 =	vadd.f32 v10, v2;
	v34 =	vadd.f32 v7, v4;
	v2 =	vpack.i.f32.bf16 v20, v20;
	v35 =	vld.idx.msk [tilespmem:v30+s19+$0x0], $0xffff  }
0x115: {  	v7 =	vpack.i.f32.bf16 v25, v25;
	v4 =	vpack.i.f32.bf16 v23, v23;
	v8 =	vmul.bf16 v11, v8;
	v11 =	vld.idx.msk [tilespmem:v30+s4+$0x0], $0xffff  }
0x116: {  	v10 =	vmul.bf16 v7, v5;
	v5 =	vpack.i.f32.bf16 v19, v19;
	v30 =	vand.u32 $0xFFFF, v9;
	v23 =	vld.idx.msk [tilespmem:v14+s19+$0x0], $0xffff  }
0x117: {  	v37 =	vshrl.u32 v9, $0x10;
	v8 =	vmul.bf16 v8, v7;
	v7 =	vand.u32 $0xFFFF, v17;
	v36 =	vld.idx.msk [tilespmem:v14+s4+$0x0], $0xffff  }
0x118: {  	v17 =	vunpack.i.l.bf16.f32 v10;
	v14 =	vmul.bf16 v18, v13;
	v13 =	vunpack.i.u.bf16.f32 v10;
	v28 =	vld.idx.msk [tilespmem:v28+s4+$0x0], $0xffff  }
0x119: {  	v9 =	vshrl.u32 v21, $0x10;
	v10 =	vpack.i.f32.bf16 v15, v15;
	v18 =	vunpack.i.u.bf16.f32 v8;
	v38 =	vld.idx.msk [tilespmem:v24+s4+$0x0], $0xffff  }
0x11a: {  	v8 =	vunpack.i.l.bf16.f32 v8;
	v20 =	vmul.bf16 v12, v14;
	v34 =	vadd.f32 v18, v34;
	v14 =	vld.idx.msk [tilespmem:v27+s19+$0x0], $0xffff  }
0x11b: {  	v19 =	vpack.i.f32.bf16 v22, v22;
	v15 =	vand.u32 $0xFFFF, v21;
	v18 =	vmul.bf16 v35, v26;
	v12 =	vld.idx.msk [tilespmem:v30+s4+$0x0], $0xffff  }
.Ltmp7:
0x11c: {  	v22 =	vadd.f32 v8, v33;
	v21 =	vunpack.i.u.bf16.f32 v20;
	v25 =	vunpack.i.l.bf16.f32 v20;
	v20 =	vld.idx.msk [tilespmem:v24+s19+$0x0], $0xffff;
	(pc) =	sbr.rel @p0 .LBB2_17-.Ltmp7, $4  }
0x11d: {  	v27 =	vmul.bf16 v18, v19;
	v18 =	vmul.bf16 v23, v16;
	v8 =	vadd.f32 v25, v29;
	v16 =	vld.idx.msk [tilespmem:v37+s4+$0x0], $0xffff  }
0x11e: {  	v25 =	vadd.f32 v21, v6;
	v23 =	vmul.bf16 v36, v32;
	v26 =	vmul.bf16 v11, v28;
	v6 =	vld.idx.msk [tilespmem:v30+s19+$0x0], $0xffff  }
0x11f: {  	v11 =	vunpack.i.u.bf16.f32 v27;
	v21 =	vadd.f32 v17, v8;
	v24 =	vmul.bf16 v38, v31;
	v8 =	vld.idx.msk [tilespmem:v37+s19+$0x0], $0xffff  }
0x120: {  	v27 =	vunpack.i.l.bf16.f32 v27;
	v11 =	vadd.f32 v11, v34;
	v23 =	vmul.bf16 v10, v23;
	v17 =	vld.idx.msk [tilespmem:v15+s4+$0x0], $0xffff  }
0x121: {  	_ =	sdelay $0x1  }
0x122: {  	v19 =	vmul.bf16 v19, v26  }
0x123: {  	v13 =	vadd.f32 v13, v25;
	v22 =	vadd.f32 v27, v22;
	v14 =	vmul.bf16 v20, v14  }
0x124: {  	v49 =	vld.idx.msk [tilespmem:v9+s4+$0x0], $0xffff;
	v50 =	vmul.bf16 v3, v24;
	v10 =	vmul.bf16 v18, v10;
	v48 =	vunpack.i.u.bf16.f32 v23  }
0x125: {  	v15 =	vld.idx.msk [tilespmem:v15+s19+$0x0], $0xffff;
	v12 =	vmul.bf16 v16, v12;
	v53 =	vunpack.i.l.bf16.f32 v23;
	v51 =	vunpack.i.l.bf16.f32 v19  }
0x126: {  	v55 =	vld.idx.msk [tilespmem:v7+s4+$0x0], $0xffff;
	v19 =	vunpack.i.u.bf16.f32 v19;
	v3 =	vmul.bf16 v14, v3;
	v54 =	vunpack.i.l.bf16.f32 v50  }
0x127: {  	v56 =	vld.idx.msk [tilespmem:v9+s19+$0x0], $0xffff;
	v57 =	vunpack.i.u.bf16.f32 v50;
	v59 =	vunpack.i.u.bf16.f32 v10;
	v10 =	vunpack.i.l.bf16.f32 v10  }
0x128: {  	v7 =	vld.idx.msk [tilespmem:v7+s19+$0x0], $0xffff;
	v52 =	vadd.f32 v51, v21;
	v13 =	vadd.f32 v19, v13;
	v12 =	vmul.bf16 v5, v12  }
0x129: {  	v0 =	vld.idx.msk [tilespmem:v0+s19+$0x0], $0xffff;
	v10 =	vadd.f32 v10, v22;
	v11 =	vadd.f32 v59, v11;
	v6 =	vmul.bf16 v8, v6  }
0x12a: {  	v58 =	vunpack.i.u.bf16.f32 v3;
	v3 =	vunpack.i.l.bf16.f32 v3;
	v16 =	vadd.f32 v53, v52  }
0x12b: {  	v17 =	vmul.bf16 v49, v17;
	v13 =	vadd.f32 v48, v13;
	v60 =	vunpack.i.l.bf16.f32 v12  }
0x12c: {  	v1 =	vmul.bf16 v1, v55;
	v3 =	vadd.f32 v3, v10;
	v9 =	vmul.bf16 v56, v15  }
0x12d: {  	v8 =	vunpack.i.u.bf16.f32 v12;
	v11 =	vadd.f32 v58, v11;
	v5 =	vmul.bf16 v6, v5  }
0x12e: {  	v0 =	vmul.bf16 v0, v7;
	v14 =	vadd.f32 v54, v16;
	v13 =	vadd.f32 v57, v13  }
0x12f: {  	v61 =	vmul.bf16 v4, v17;
	v1 =	vmul.bf16 v2, v1;
	v63 =	vunpack.i.l.bf16.f32 v5  }
0x130: {  	v4 =	vmul.bf16 v9, v4;
	v5 =	vunpack.i.u.bf16.f32 v5;
	v9 =	vadd.f32 v63, v3  }
0x131: {  	s28 =	sadd.s32 $0x1, s28;
	v0 =	vmul.bf16 v0, v2;
	v5 =	vadd.f32 v5, v11;
	v8 =	vadd.f32 v8, v13  }
0x132: {  	p0 =	sne.s32 s28, $0x3E;
	v14 =	vadd.f32 v60, v14;
	v62 =	vunpack.i.l.bf16.f32 v61;
	v10 =	vunpack.i.u.bf16.f32 v61  }
.Ltmp8:
0x133: {  	v7 =	vunpack.i.u.bf16.f32 v4;
	v4 =	vunpack.i.l.bf16.f32 v4;
	v8 =	vadd.f32 v10, v8;
	(pc) =	sbr.rel @p0 .LBB2_6-.Ltmp8, $4  }
0x134: {  	v6 =	vunpack.i.u.bf16.f32 v1;
	v4 =	vadd.f32 v4, v9;
	v2 =	vadd.f32 v62, v14  }
0x135: {  	v1 =	vunpack.i.l.bf16.f32 v1;
	v7 =	vadd.f32 v7, v5;
	v3 =	vadd.f32 v6, v8  }
0x136: {  	v8 =	vunpack.i.u.bf16.f32 v0;
	v0 =	vunpack.i.l.bf16.f32 v0;
	v5 =	vadd.f32 v1, v2  }
0x137: {  	v6 =	vadd.f32 v0, v4;
	v2 =	vadd.f32 v8, v7  }
0x138: {  	_ =	swait.ge [sflag:s20], $0xC80  }
0x139: {  	[sflag:s20] =	ssyncset.done $0x0  }
0x13a: {  	[sflag:s20] =	ssyncadd.s32 $0xFFFFF380  }
0x13b: {  	_ =	swait.ge [sflag:s20], $0xC80  }
0x13c: {  	[sflag:s20] =	ssyncset.done $0x0  }
0x13d: {  	s28 =	simm.s32 $0x1A040;
	[sflag:s20] =	ssyncadd.s32 $0xFFFFF380  }
0x13e: {  	v7 =	vld [tilespmem:s28+$0x30]  }
0x13f: {  	v8 =	vld [tilespmem:s28+$0x20]  }
0x140: {  	v9 =	vld [tilespmem:s28+$0x10]  }
0x141: {  	v4 =	vld [tilespmem:s28+$0x0]  }
0x142: {  	s29 =	simm.s32 $0x18740;
	v10 =	vld [tilespmem:s28+$0xFFFFFFC0]  }
0x143: {  	v11 =	vld [tilespmem:s29+$0x30]  }
0x144: {  	v12 =	vld [tilespmem:s28+$0xFFFFFFF0]  }
0x145: {  	v1 =	vld [tilespmem:s29+$0xFFFFFFC0]  }
0x146: {  	v15 =	vld [tilespmem:s29+$0x20]  }
0x147: {  	v13 =	vld [tilespmem:s29+$0xFFFFFFD0]  }
0x148: {  	v16 =	vld [tilespmem:s28+$0xFFFFFFE0]  }
0x149: {  	v14 =	vld [tilespmem:s29+$0x10];
	v0 =	vshrl.u32 v11, $0x10  }
0x14a: {  	v18 =	vld [tilespmem:s28+$0xFFFFFFD0];
	v17 =	vshrl.u32 v1, $0x10  }
0x14b: {  	v20 =	vld [tilespmem:s29+$0x0];
	v19 =	vand.u32 $0xFFFF, v1  }
0x14c: {  	v21 =	vld [tilespmem:s29+$0xFFFFFFF0];
	v22 =	vshrl.u32 v13, $0x10  }
0x14d: {  	v23 =	vld [tilespmem:s29+$0xFFFFFFE0];
	v13 =	vand.u32 $0xFFFF, v13  }
0x14e: {  	v1 =	vld.idx.msk [tilespmem:v0+s4+$0x0], $0xffff  }
0x14f: {  	v24 =	vld.idx.msk [tilespmem:v17+s19+$0x0], $0xffff  }
0x150: {  	v25 =	vld.idx.msk [tilespmem:v19+s19+$0x0], $0xffff  }
0x151: {  	v26 =	vand.u32 $0xFFFF, v20;
	v27 =	vld.idx.msk [tilespmem:v22+s4+$0x0], $0xffff  }
0x152: {  	v28 =	vand.u32 $0xFFFF, v21;
	v29 =	vld.idx.msk [tilespmem:v13+s4+$0x0], $0xffff  }
0x153: {  	v22 =	vld.idx.msk [tilespmem:v22+s19+$0x0], $0xffff  }
0x154: {  	v30 =	vand.u32 $0xFFFF, v23;
	v23 =	vshrl.u32 v23, $0x10;
	v13 =	vld.idx.msk [tilespmem:v13+s19+$0x0], $0xffff  }
0x155: {  	v19 =	vld.idx.msk [tilespmem:v19+s4+$0x0], $0xffff  }
0x156: {  	v20 =	vshrl.u32 v20, $0x10;
	v31 =	vld.idx.msk [tilespmem:v26+s4+$0x0], $0xffff  }
0x157: {  	v32 =	vld.idx.msk [tilespmem:v28+s19+$0x0], $0xffff  }
0x158: {  	v4 =	vpack.i.f32.bf16 v4, v4;
	v17 =	vld.idx.msk [tilespmem:v17+s4+$0x0], $0xffff;
	v24 =	vmul.bf16 v24, v25  }
0x159: {  	v33 =	vld.idx.msk [tilespmem:v23+s19+$0x0], $0xffff;
	v25 =	vpack.i.f32.bf16 v10, v10;
	v27 =	vmul.bf16 v27, v29;
	v13 =	vmul.bf16 v22, v13  }
0x15a: {  	v18 =	vpack.i.f32.bf16 v18, v18;
	v23 =	vld.idx.msk [tilespmem:v23+s4+$0x0], $0xffff;
	v10 =	vshrl.u32 v21, $0x10;
	v21 =	vmul.bf16 v24, v25  }
0x15b: {  	v34 =	vand.u32 $0xFFFF, v14;
	v37 =	vld.idx.msk [tilespmem:v20+s4+$0x0], $0xffff;
	v22 =	vmul.bf16 v18, v27;
	v18 =	vmul.bf16 v13, v18  }
0x15c: {  	v36 =	vshrl.u32 v14, $0x10;
	v24 =	vld.idx.msk [tilespmem:v28+s4+$0x0], $0xffff;
	v28 =	vunpack.i.u.bf16.f32 v21;
	v21 =	vunpack.i.l.bf16.f32 v21  }
0x15d: {  	v29 =	vld.idx.msk [tilespmem:v30+s19+$0x0], $0xffff;
	v13 =	vunpack.i.u.bf16.f32 v22;
	v14 =	vunpack.i.u.bf16.f32 v18;
	v21 =	vadd.f32 v21, v6  }
0x15e: {  	v30 =	vld.idx.msk [tilespmem:v30+s4+$0x0], $0xffff;
	v28 =	vadd.f32 v28, v2;
	v2 =	vpack.i.f32.bf16 v7, v7;
	v6 =	vpack.i.f32.bf16 v8, v8  }
0x15f: {  	v27 =	vld.idx.msk [tilespmem:v10+s19+$0x0], $0xffff;
	v7 =	vpack.i.f32.bf16 v9, v9;
	v8 =	vand.u32 $0xFFFF, v11;
	v11 =	vmul.bf16 v17, v19  }
0x160: {  	v35 =	vld.idx.msk [tilespmem:v10+s4+$0x0], $0xffff;
	v17 =	vunpack.i.l.bf16.f32 v22;
	v10 =	vpack.i.f32.bf16 v12, v12;
	v9 =	vshrl.u32 v15, $0x10  }
0x161: {  	v20 =	vld.idx.msk [tilespmem:v20+s19+$0x0], $0xffff;
	v19 =	vunpack.i.l.bf16.f32 v18;
	v18 =	vpack.i.f32.bf16 v16, v16;
	v11 =	vmul.bf16 v25, v11  }
0x162: {  	v16 =	vmul.bf16 v33, v29;
	v12 =	vld.idx.msk [tilespmem:v34+s4+$0x0], $0xffff;
	v15 =	vand.u32 $0xFFFF, v15;
	v28 =	vadd.f32 v14, v28  }
0x163: {  	v14 =	vld.idx.msk [tilespmem:v26+s19+$0x0], $0xffff;
	v22 =	vadd.f32 v19, v21;
	v25 =	vunpack.i.u.bf16.f32 v11;
	v11 =	vunpack.i.l.bf16.f32 v11  }
0x164: {  	v26 =	vmul.bf16 v23, v30;
	v5 =	vadd.f32 v11, v5;
	v11 =	vmul.bf16 v16, v18;
	v16 =	vld.idx.msk [tilespmem:v36+s4+$0x0], $0xffff  }
0x165: {  	v19 =	vmul.bf16 v27, v32;
	v25 =	vadd.f32 v25, v3;
	v23 =	vmul.bf16 v35, v24;
	v3 =	vld.idx.msk [tilespmem:v34+s19+$0x0], $0xffff  }
0x166: {  	v24 =	vmul.bf16 v37, v31;
	v21 =	vadd.f32 v17, v5;
	v17 =	vunpack.i.u.bf16.f32 v11;
	v5 =	vld.idx.msk [tilespmem:v36+s19+$0x0], $0xffff  }
0x167: {  	s2 =	simm.s32 $0x0;
	v27 =	vunpack.i.l.bf16.f32 v11;
	v23 =	vmul.bf16 v10, v23;
	v11 =	vadd.f32 v17, v28;
	v17 =	vld.idx.msk [tilespmem:v15+s4+$0x0], $0xffff  }
.LBB2_20:
0x168: {  	s2 =	sadd.s32 $0x80, s2;
	v13 =	vadd.f32 v13, v25;
	v18 =	vmul.bf16 v18, v26;
	v22 =	vadd.f32 v27, v22;
	v25 =	vld.idx.msk [tilespmem:v9+s4+$0x0], $0xffff;
	s29 =	sadd.s32 $0x100, s29;
	s28 =	sadd.s32 $0x100, s28  }
0x169: {  	v14 =	vmul.bf16 v20, v14;
	v20 =	vmul.bf16 v4, v24;
	p0 =	slt.u32 s2, $0xC00;
	v26 =	vunpack.i.u.bf16.f32 v23;
	v15 =	vld.idx.msk [tilespmem:v15+s19+$0x0], $0xffff  }
0x16a: {  	v10 =	vmul.bf16 v19, v10;
	v24 =	vunpack.i.u.bf16.f32 v18;
	v18 =	vunpack.i.l.bf16.f32 v18;
	v9 =	vld.idx.msk [tilespmem:v9+s19+$0x0], $0xffff  }
0x16b: {  	v12 =	vmul.bf16 v16, v12;
	v19 =	vunpack.i.l.bf16.f32 v20;
	v18 =	vadd.f32 v18, v21;
	v16 =	vld.idx.msk [tilespmem:v8+s4+$0x0], $0xffff  }
0x16c: {  	v4 =	vmul.bf16 v14, v4;
	v13 =	vadd.f32 v24, v13;
	v21 =	vunpack.i.l.bf16.f32 v23;
	v8 =	vld.idx.msk [tilespmem:v8+s19+$0x0], $0xffff  }
0x16d: {  	v12 =	vmul.bf16 v7, v12;
	v14 =	vadd.f32 v21, v18;
	v18 =	vunpack.i.u.bf16.f32 v20;
	v0 =	vld.idx.msk [tilespmem:v0+s19+$0x0], $0xffff  }
0x16e: {  	v21 =	vunpack.i.u.bf16.f32 v4;
	v4 =	vunpack.i.l.bf16.f32 v4;
	v17 =	vmul.bf16 v25, v17;
	v20 =	vld [tilespmem:s28+$0x30]  }
0x16f: {  	v24 =	vunpack.i.u.bf16.f32 v10;
	v10 =	vunpack.i.l.bf16.f32 v10;
	v23 =	vld [tilespmem:s28+$0x20];
	v14 =	vadd.f32 v19, v14  }
0x170: {  	v10 =	vadd.f32 v10, v22;
	v13 =	vadd.f32 v26, v13;
	v22 =	vunpack.i.l.bf16.f32 v12;
	v19 =	vld [tilespmem:s28+$0x10]  }
0x171: {  	v11 =	vadd.f32 v24, v11;
	v1 =	vmul.bf16 v1, v16;
	v25 =	vld [tilespmem:s28+$0x0];
	v14 =	vadd.f32 v22, v14  }
0x172: {  	v10 =	vadd.f32 v4, v10;
	v13 =	vadd.f32 v18, v13;
	v4 =	vmul.bf16 v6, v17;
	v16 =	vld [tilespmem:s28+$0xFFFFFFC0]  }
0x173: {  	v9 =	vmul.bf16 v9, v15;
	v1 =	vmul.bf16 v2, v1;
	v17 =	vld [tilespmem:s29+$0x30]  }
0x174: {  	v3 =	vmul.bf16 v5, v3;
	v5 =	vunpack.i.u.bf16.f32 v12;
	v12 =	vunpack.i.l.bf16.f32 v4;
	v15 =	vld [tilespmem:s28+$0xFFFFFFF0]  }
0x175: {  	v11 =	vadd.f32 v21, v11;
	v5 =	vadd.f32 v5, v13;
	v13 =	vunpack.i.l.bf16.f32 v1;
	v18 =	vld [tilespmem:s29+$0xFFFFFFC0]  }
0x176: {  	v4 =	vunpack.i.u.bf16.f32 v4;
	v6 =	vmul.bf16 v9, v6;
	v1 =	vunpack.i.u.bf16.f32 v1;
	v21 =	vld [tilespmem:s29+$0x20]  }
0x177: {  	v3 =	vmul.bf16 v3, v7;
	v7 =	vmul.bf16 v0, v8;
	v5 =	vadd.f32 v4, v5;
	v22 =	vld [tilespmem:s28+$0xFFFFFFE0]  }
0x178: {  	v4 =	vpack.i.f32.bf16 v25, v25;
	v8 =	vld [tilespmem:s29+$0xFFFFFFD0];
	v0 =	vshrl.u32 v17, $0x10  }
0x179: {  	v24 =	vunpack.i.u.bf16.f32 v6;
	v6 =	vunpack.i.l.bf16.f32 v6;
	v2 =	vmul.bf16 v7, v2;
	v9 =	vld [tilespmem:s29+$0x10]  }
0x17a: {  	v26 =	vunpack.i.l.bf16.f32 v3;
	v7 =	vshrl.u32 v18, $0x10;
	v18 =	vand.u32 $0xFFFF, v18;
	v25 =	vld [tilespmem:s28+$0xFFFFFFD0]  }
0x17b: {  	v3 =	vunpack.i.u.bf16.f32 v3;
	v12 =	vadd.f32 v12, v14;
	v5 =	vadd.f32 v1, v5;
	v27 =	vld [tilespmem:s29+$0x0]  }
0x17c: {  	v10 =	vadd.f32 v26, v10;
	v3 =	vadd.f32 v3, v11;
	v14 =	vld [tilespmem:s29+$0xFFFFFFF0]  }
0x17d: {  	v26 =	vunpack.i.u.bf16.f32 v2;
	v11 =	vshrl.u32 v8, $0x10;
	v8 =	vand.u32 $0xFFFF, v8;
	v1 =	vld.idx.msk [tilespmem:v0+s4+$0x0], $0xffff  }
0x17e: {  	v6 =	vadd.f32 v6, v10;
	v29 =	vadd.f32 v13, v12;
	v2 =	vunpack.i.l.bf16.f32 v2;
	v28 =	vld [tilespmem:s29+$0xFFFFFFE0]  }
0x17f: {  	v3 =	vadd.f32 v24, v3;
	v10 =	vld.idx.msk [tilespmem:v7+s19+$0x0], $0xffff  }
0x180: {  	v2 =	vadd.f32 v2, v6;
	v12 =	vld.idx.msk [tilespmem:v18+s19+$0x0], $0xffff;
	v24 =	vshrl.u32 v27, $0x10;
	v27 =	vand.u32 $0xFFFF, v27  }
0x181: {  	v3 =	vadd.f32 v26, v3;
	v13 =	vld.idx.msk [tilespmem:v18+s4+$0x0], $0xffff  }
0x182: {  	v18 =	vand.u32 $0xFFFF, v14;
	v6 =	vld.idx.msk [tilespmem:v11+s4+$0x0], $0xffff  }
0x183: {  	v26 =	vld.idx.msk [tilespmem:v8+s4+$0x0], $0xffff;
	v30 =	vshrl.u32 v28, $0x10;
	v28 =	vand.u32 $0xFFFF, v28  }
0x184: {  	v11 =	vld.idx.msk [tilespmem:v11+s19+$0x0], $0xffff  }
0x185: {  	v31 =	vld.idx.msk [tilespmem:v27+s4+$0x0], $0xffff  }
0x186: {  	v10 =	vmul.bf16 v10, v12;
	v8 =	vld.idx.msk [tilespmem:v8+s19+$0x0], $0xffff  }
0x187: {  	v14 =	vshrl.u32 v14, $0x10;
	v12 =	vpack.i.f32.bf16 v16, v16;
	v16 =	vld.idx.msk [tilespmem:v18+s19+$0x0], $0xffff  }
0x188: {  	v10 =	vmul.bf16 v10, v12;
	v32 =	vld.idx.msk [tilespmem:v18+s4+$0x0], $0xffff  }
0x189: {  	v18 =	vld.idx.msk [tilespmem:v7+s4+$0x0], $0xffff  }
0x18a: {  	v26 =	vmul.bf16 v6, v26;
	v7 =	vunpack.i.u.bf16.f32 v10;
	v10 =	vunpack.i.l.bf16.f32 v10;
	v33 =	vld.idx.msk [tilespmem:v28+s19+$0x0], $0xffff  }
0x18b: {  	v34 =	vadd.f32 v10, v2;
	v3 =	vadd.f32 v7, v3;
	v2 =	vpack.i.f32.bf16 v20, v20;
	v35 =	vld.idx.msk [tilespmem:v30+s19+$0x0], $0xffff  }
0x18c: {  	v6 =	vpack.i.f32.bf16 v23, v23;
	v10 =	vpack.i.f32.bf16 v25, v25;
	v8 =	vmul.bf16 v11, v8;
	v11 =	vld.idx.msk [tilespmem:v30+s4+$0x0], $0xffff  }
0x18d: {  	v7 =	vpack.i.f32.bf16 v19, v19;
	v20 =	vmul.bf16 v10, v26;
	v30 =	vand.u32 $0xFFFF, v9;
	v23 =	vld.idx.msk [tilespmem:v14+s19+$0x0], $0xffff  }
0x18e: {  	v37 =	vshrl.u32 v9, $0x10;
	v19 =	vmul.bf16 v8, v10;
	v8 =	vand.u32 $0xFFFF, v17;
	v36 =	vld.idx.msk [tilespmem:v14+s4+$0x0], $0xffff  }
0x18f: {  	v17 =	vunpack.i.l.bf16.f32 v20;
	v14 =	vmul.bf16 v18, v13;
	v13 =	vunpack.i.u.bf16.f32 v20;
	v26 =	vld.idx.msk [tilespmem:v28+s4+$0x0], $0xffff  }
0x190: {  	v9 =	vshrl.u32 v21, $0x10;
	v10 =	vpack.i.f32.bf16 v15, v15;
	v18 =	vunpack.i.u.bf16.f32 v19;
	v28 =	vld.idx.msk [tilespmem:v24+s4+$0x0], $0xffff  }
0x191: {  	v19 =	vunpack.i.l.bf16.f32 v19;
	v20 =	vmul.bf16 v12, v14;
	v38 =	vadd.f32 v18, v3;
	v14 =	vld.idx.msk [tilespmem:v27+s19+$0x0], $0xffff  }
0x192: {  	v15 =	vand.u32 $0xFFFF, v21;
	v18 =	vpack.i.f32.bf16 v22, v22;
	v3 =	vmul.bf16 v35, v33;
	v12 =	vld.idx.msk [tilespmem:v30+s4+$0x0], $0xffff  }
.Ltmp9:
0x193: {  	v22 =	vadd.f32 v19, v34;
	v21 =	vunpack.i.u.bf16.f32 v20;
	v25 =	vunpack.i.l.bf16.f32 v20;
	v20 =	vld.idx.msk [tilespmem:v24+s19+$0x0], $0xffff;
	(pc) =	sbr.rel @p0 .LBB2_20-.Ltmp9, $4  }
0x194: {  	v27 =	vmul.bf16 v3, v18;
	v19 =	vmul.bf16 v23, v16;
	v24 =	vadd.f32 v25, v29;
	v16 =	vld.idx.msk [tilespmem:v37+s4+$0x0], $0xffff  }
0x195: {  	v25 =	vadd.f32 v21, v5;
	v23 =	vmul.bf16 v36, v32;
	v26 =	vmul.bf16 v11, v26;
	v3 =	vld.idx.msk [tilespmem:v30+s19+$0x0], $0xffff  }
0x196: {  	v11 =	vunpack.i.u.bf16.f32 v27;
	v21 =	vadd.f32 v17, v24;
	v24 =	vmul.bf16 v28, v31;
	v5 =	vld.idx.msk [tilespmem:v37+s19+$0x0], $0xffff  }
0x197: {  	v27 =	vunpack.i.l.bf16.f32 v27;
	v11 =	vadd.f32 v11, v38;
	v23 =	vmul.bf16 v10, v23;
	v17 =	vld.idx.msk [tilespmem:v15+s4+$0x0], $0xffff  }
0x198: {  	_ =	sdelay $0x2  }
0x199: {  	v13 =	vadd.f32 v13, v25;
	v18 =	vmul.bf16 v18, v26;
	v14 =	vmul.bf16 v20, v14  }
0x19a: {  	v22 =	vadd.f32 v27, v22;
	v35 =	vld.idx.msk [tilespmem:v9+s4+$0x0], $0xffff;
	v37 =	vmul.bf16 v4, v24;
	v10 =	vmul.bf16 v19, v10  }
0x19b: {  	v15 =	vld.idx.msk [tilespmem:v15+s19+$0x0], $0xffff;
	v36 =	vunpack.i.u.bf16.f32 v23;
	v12 =	vmul.bf16 v16, v12;
	v41 =	vunpack.i.l.bf16.f32 v23  }
0x19c: {  	v40 =	vld.idx.msk [tilespmem:v8+s4+$0x0], $0xffff;
	v38 =	vunpack.i.u.bf16.f32 v18;
	v18 =	vunpack.i.l.bf16.f32 v18;
	v39 =	vunpack.i.l.bf16.f32 v37  }
0x19d: {  	v43 =	vld.idx.msk [tilespmem:v9+s19+$0x0], $0xffff;
	v42 =	vmul.bf16 v14, v4;
	v45 =	vunpack.i.u.bf16.f32 v37;
	v47 =	vunpack.i.u.bf16.f32 v10  }
0x19e: {  	v49 =	vld.idx.msk [tilespmem:v8+s19+$0x0], $0xffff;
	v10 =	vunpack.i.l.bf16.f32 v10;
	v18 =	vadd.f32 v18, v21;
	v13 =	vadd.f32 v38, v13  }
0x19f: {  	v0 =	vld.idx.msk [tilespmem:v0+s19+$0x0], $0xffff;
	v12 =	vmul.bf16 v7, v12;
	v10 =	vadd.f32 v10, v22;
	v11 =	vadd.f32 v47, v11  }
0x1a0: {  	v3 =	vmul.bf16 v5, v3;
	v46 =	vunpack.i.u.bf16.f32 v42;
	v4 =	vunpack.i.l.bf16.f32 v42  }
0x1a1: {  	v44 =	vadd.f32 v41, v18;
	v17 =	vmul.bf16 v35, v17;
	v13 =	vadd.f32 v36, v13  }
0x1a2: {  	v48 =	vunpack.i.l.bf16.f32 v12;
	v1 =	vmul.bf16 v1, v40;
	v9 =	vmul.bf16 v43, v15  }
0x1a3: {  	v4 =	vadd.f32 v4, v10;
	v51 =	vunpack.i.u.bf16.f32 v12;
	v11 =	vadd.f32 v46, v11  }
0x1a4: {  	v3 =	vmul.bf16 v3, v7;
	v0 =	vmul.bf16 v0, v49;
	v14 =	vadd.f32 v39, v44  }
0x1a5: {  	v13 =	vadd.f32 v45, v13;
	v50 =	vmul.bf16 v6, v17;
	v1 =	vmul.bf16 v2, v1  }
0x1a6: {  	v55 =	vmul.bf16 v9, v6;
	v56 =	vunpack.i.l.bf16.f32 v3;
	v3 =	vunpack.i.u.bf16.f32 v3  }
0x1a7: {  	v0 =	vmul.bf16 v0, v2;
	v4 =	vadd.f32 v56, v4;
	v59 =	vadd.f32 v3, v11  }
0x1a8: {  	v14 =	vadd.f32 v48, v14;
	v52 =	vunpack.i.l.bf16.f32 v50;
	v58 =	vunpack.i.l.bf16.f32 v55  }
0x1a9: {  	v5 =	vadd.f32 v51, v13;
	v60 =	vunpack.i.u.bf16.f32 v55;
	v4 =	vadd.f32 v58, v4  }
0x1aa: {  	v54 =	vunpack.i.u.bf16.f32 v50;
	v62 =	vunpack.i.l.bf16.f32 v0;
	v2 =	vadd.f32 v60, v59  }
0x1ab: {  	v0 =	vunpack.i.u.bf16.f32 v0;
	v57 =	vadd.f32 v52, v14;
	v63 =	vadd.f32 v62, v4  }
0x1ac: {  	v53 =	vunpack.i.l.bf16.f32 v1;
	v5 =	vadd.f32 v54, v5;
	v0 =	vadd.f32 v0, v2  }
0x1ad: {  	v1 =	vunpack.i.u.bf16.f32 v1;
	v61 =	vadd.f32 v53, v57;
	[tilespmem:$0x1BA00] =	vst v63  }
0x1ae: {  	v1 =	vadd.f32 v1, v5;
	[tilespmem:$0x1BA80] =	vst v0  }
0x1af: {  	[tilespmem:$0x1B900] =	vst v61  }
0x1b0: {  	s0 =	simm.s32 $0x1B900;
	[tilespmem:$0x1B980] =	vst v1  }
0x1b1: {  	[hbm4b:s11+s4] =	stream.linear.scatter [tilespmem:s0], [sflag:$0x3], $0x80, $0x38;
	[tilespmem:$0x1BB00] =	vst v63  }
0x1b2: {  	_ =	swait.ge [sflag:s18], $0x80  }
0x1b3: {  	[sflag:s18] =	ssyncset.done $0x0  }
0x1b4: {  	s31 =	simm.s32 $0x1B980;
	[sflag:s18] =	ssyncadd.s32 $0xFFFFFF80  }
0x1b5: {  	[hbm4b:s12+s4] =	stream.linear.scatter [tilespmem:s31], [sflag:$0x3], $0x80, $0x38;
	[tilespmem:$0x1BB00] =	vst v63  }
0x1b6: {  	_ =	swait.ge [sflag:s18], $0x80  }
0x1b7: {  	[sflag:s18] =	ssyncset.done $0x0  }
0x1b8: {  	[sflag:s18] =	ssyncadd.s32 $0xFFFFFF80  }
0x1b9: {  	[hbm4b:s13+s4] =	stream.linear.scatter [tilespmem:s24], [sflag:$0x3], $0x80, $0x38;
	[tilespmem:$0x1BB00] =	vst v63  }
0x1ba: {  	s26 =	sadd.s32 $0x1, s26;
	_ =	swait.ge [sflag:s18], $0x80  }
0x1bb: {  	p0 =	sne.s32 s26, s15;
	[sflag:s18] =	ssyncset.done $0x0  }
.Ltmp10:
0x1bc: {  	[sflag:s18] =	ssyncadd.s32 $0xFFFFFF80;
	(pc) =	sbr.rel @p0 .LBB2_1-.Ltmp10, $4  }
0x1bd: {  	[hbm4b:s14+s4] =	stream.linear.scatter [tilespmem:s25], [sflag:$0x3], $0x80, $0x38;
	[tilespmem:$0x1BB00] =	vst v63  }
0x1be: {  	_ =	swait.ge [sflag:s18], $0x80  }
0x1bf: {  	[sflag:s18] =	ssyncset.done $0x0  }
0x1c0: {  	[sflag:s18] =	ssyncadd.s32 $0xFFFFFF80  }
0x1c1: {  	_ =	sfence.sel $0x180000  }
0x1c2: {  	[bflag:$0x0] =	sbarrier.arrive $0xFFFF  }
0x1c3: {  	_ =	strace $0x90000047  }
0x1c4: {  	s0 =	stileid.u32;
	[bflag:$0x2] =	sbarrier.arrive $0xFFFF  }
0x1c5: {  	p0 =	sne.s32 s0, $0x0;
	s0 =	rddreg [dreg:$0x4]  }
0x1c6: {  	s0 =	sadd.s32 @!p0 $0x100000, s0  }
0x1c7: {  	[sflag:s0] =	ssyncadd.tile.s32 @!p0 $0x1;
	_ =	shalt  }
.Lfunc_end2:
_tile_overlayer_lowered:
.L_overlay_start_2:
0x1c8: {  	(tag) =	ssettag $0x2  }
0x1c9: {  	s0 =	rddreg [dreg:$0x0];
	s2 =	stileid.u32  }
0x1ca: {  	s1 =	rddreg [dreg:$0x1];
	p0 =	sne.s32 s2, $0x0  }
0x1cb: {  	s3 =	rddreg [dreg:$0x2];
	[bflag:$0x3] =	sbarrier.arrive $0xFFFF;
	s2 =	simm.s32 @!p0 $0x1C03  }
0x1cc: {  	[timem:s3], [sflag:s2] =	dma.local @!p0 [hbm:s0], s1  }
0x1cd: {  	s0 =	simm.s32 @!p0 $0x3  }
0x1ce: {  	_ =	swait.ge @!p0 [sflag:s0], s1  }
0x1cf: {  	s1 =	ssub.s32 @!p0 $0x0, s1;
	[sflag:s0] =	ssyncset.done @!p0 $0x0  }
0x1d0: {  	[sflag:s0] =	ssyncadd.s32 @!p0 s1  }
0x1d1: {  	[bflag:$0x3] =	sbarrier.arrive $0xFFFF  }
0x1d2: {  	_ =	shalt  }

</sc_bundles>
